<compile_context>
chip_gen: v7x
topology: tpu7x:2x2x1
jax: 0.10.2.dev20260603
libtpu: 0.0.44.dev20260713+nightly
codegen_flags: <defaults>
</compile_context>

<pallas_src>
import jax
import jax.numpy as jnp
from jax import lax
from jax.experimental import pallas as pl
from jax.experimental.pallas import tpu as pltpu
from jax.experimental.pallas import tpu_sc as plsc

BATCH = 8
N_DOFS = 262144
N_BOUNDARY = 8192
D = 32

NUM_CORES = 2
NUM_SUBCORES = 16

LANES = 128
SUBL = 8
DBLK = D // SUBL
CBLK_IN = N_DOFS // LANES
CBLK_OUT = N_BOUNDARY // LANES
WORDS_PER_BLK = CBLK_IN * SUBL * LANES
IDX_ROWS = N_BOUNDARY // 16
DMA_IDX = 8


def _gather_body(xv_hbm, idx_hbm, out_hbm, idx_v, out_v, sem0, sem1):
    wid = lax.axis_index("s") * NUM_CORES + lax.axis_index("c")
    b = wid // DBLK
    t = wid % DBLK

    pltpu.sync_copy(idx_hbm, idx_v)

    block = xv_hbm.at[b, t]
    half = CBLK_OUT // 2

    def _row(c, sem):
        for k in range(LANES // 16):
            v = idx_v[c, pl.ds(k * 16, 16)]
            idx_v[c, pl.ds(k * 16, 16)] = ((v >> 7) << 10) | (v & 127)
        rows = idx_v.at[c]
        for s in range(SUBL):
            table = block.at[pl.ds(s * LANES, WORDS_PER_BLK - SUBL * LANES + LANES)]
            pltpu.async_copy(table.at[rows], out_v.at[c, s], sem)

    def _fire0(c, _):
        _row(c, sem0)
        return _

    def _fire1(c, _):
        _row(c, sem1)
        return _

    lax.fori_loop(0, half, _fire0, 0)
    lax.fori_loop(half, CBLK_OUT, _fire1, 0)

    out_lo = out_hbm.at[b, t, pl.ds(0, half)]
    out_hi = out_hbm.at[b, t, pl.ds(half, half)]
    pltpu.make_async_copy(out_lo, out_v.at[pl.ds(0, half)], sem0).wait()
    pltpu.sync_copy(out_v.at[pl.ds(0, half)], out_lo)
    pltpu.make_async_copy(out_hi, out_v.at[pl.ds(half, half)], sem1).wait()
    pltpu.sync_copy(out_v.at[pl.ds(half, half)], out_hi)


def _tile_view(x):
    xt = jnp.transpose(x, (0, 2, 1))
    x5 = xt.reshape(BATCH, DBLK, SUBL, CBLK_IN, LANES)
    x5 = jnp.transpose(x5, (0, 1, 3, 2, 4))
    return x5.reshape(BATCH, DBLK, CBLK_IN * SUBL * LANES)


def _untile_out(o):
    o5 = o.reshape(BATCH, DBLK, CBLK_OUT, SUBL, LANES)
    o5 = jnp.transpose(o5, (0, 1, 3, 2, 4))
    ot = o5.reshape(BATCH, D, N_BOUNDARY)
    return jnp.transpose(ot, (0, 2, 1))


@jax.jit
def kernel(x, indices):
    xv = _tile_view(x)
    idx2d = indices.reshape(CBLK_OUT, LANES)
    run = pl.kernel(
        _gather_body,
        out_type=jax.ShapeDtypeStruct(
            (BATCH, DBLK, CBLK_OUT, SUBL, LANES), jnp.float32
        ),
        mesh=plsc.VectorSubcoreMesh(core_axis_name="c", subcore_axis_name="s"),
        scratch_types=[
            pltpu.VMEM((CBLK_OUT, LANES), jnp.int32),
            pltpu.VMEM((CBLK_OUT, SUBL, LANES), jnp.float32),
            pltpu.SemaphoreType.DMA,
            pltpu.SemaphoreType.DMA,
        ],
        compiler_params=pltpu.CompilerParams(use_tc_tiling_on_sc=False),
    )
    out = run(xv, idx2d)
    return _untile_out(out.reshape(BATCH, DBLK, CBLK_OUT * SUBL * LANES))

# --- scband reference (transcript-rebuilt; emitter-appended) ---
"""Pipeline reference for scband-on-boundary-82978768159160 (READ-ONLY COPY).

The authoritative reference and input builder live on the scoring server;
editing this copy changes nothing except your own understanding.
"""

import jax, jax.numpy as jnp
import numpy as np

N_DOFS = 262144
N_BOUNDARY = 8192
BATCH = 8
D = 32


def setup_inputs(seed: int = 0) -> dict:
    key = jax.random.key(seed)
    k1, k2 = jax.random.split(key)
    x = jax.random.normal(k1, (BATCH, N_DOFS, D), dtype=jnp.float32)
    # 'indices' is a registered buffer on the torch module (boundary dof ids);
    # materialized here as an input. In the real module these come from a
    # DirichletBC on the FEM mesh; random in-range ids are shape-faithful.
    indices = jax.random.randint(k2, (N_BOUNDARY,), 0, N_DOFS, dtype=jnp.int32)
    return {"x": x, "indices": indices}


def reference(x, indices):
    # torch.index_select(x, -2, self.indices)
    return jnp.take(x, indices, axis=-2)

if __name__ == "__main__":
    import jax
    _d = setup_inputs()
    print(jax.jit(kernel)(*tuple(_d.values())))

</pallas_src>

<mosaic_0001>
#map = affine_map<(d0, d1) -> (0, 0, 0)>
#map1 = affine_map<(d0, d1) -> (0, 0)>
#map2 = affine_map<(d0, d1) -> (0, 0, 0, 0, 0)>
module attributes {stable_mosaic.version = 14 : i64} {
  func.func @_gather_body(%arg0: i32, %arg1: i32, %arg2: memref<8x4x2097152xf32, #tpu.memory_space<hbm>>, %arg3: memref<64x128xi32, #tpu.memory_space<hbm>>, %arg4: memref<8x4x64x8x128xf32, #tpu.memory_space<hbm>>, %arg5: memref<64x128xi32, #tpu.memory_space<vmem>>, %arg6: memref<64x8x128xf32, #tpu.memory_space<vmem>>, %arg7: memref<!tpu.dma_semaphore, #tpu.memory_space<semaphore_mem>>, %arg8: memref<!tpu.dma_semaphore, #tpu.memory_space<semaphore_mem>>) attributes {dimension_semantics = [#tpu.dimension_semantics<core_parallel>, #tpu.dimension_semantics<subcore_parallel>], iteration_bounds = array<i64: 2, 16>, scalar_prefetch = 0 : i64, scratch_operands = 4 : i64, tpu.core_type = #tpu.core_type<sc_vector_subcore>, window_params = [{transform_indices = #map}, {transform_indices = #map1}, {transform_indices = #map2}]} {
    %mul3A = arith.constant 2 : i32
    %mul3A_0 = arith.muli %arg1, %mul3A : i32
    %add3A = arith.addi %mul3A_0, %arg0 : i32
    %jit3A = arith.constant 4 : i32
    %div3A = arith.divsi %add3A, %jit3A : i32
    %sign3A = arith.constant 0 : i32
    %sign3A_1 = arith.cmpi sgt, %add3A, %sign3A : i32
    %sign3A_2 = arith.extui %sign3A_1 : i1 to i32
    %sign3A_3 = arith.constant 0 : i32
    %sign3A_4 = arith.cmpi slt, %add3A, %sign3A_3 : i32
    %sign3A_5 = arith.extui %sign3A_4 : i1 to i32
    %sign3A_6 = arith.subi %sign3A_2, %sign3A_5 : i32
    %sign3A_7 = arith.constant 0 : i32
    %sign3A_8 = arith.cmpi sgt, %jit3A, %sign3A_7 : i32
    %sign3A_9 = arith.extui %sign3A_8 : i1 to i32
    %sign3A_10 = arith.constant 0 : i32
    %sign3A_11 = arith.cmpi slt, %jit3A, %sign3A_10 : i32
    %sign3A_12 = arith.extui %sign3A_11 : i1 to i32
    %sign3A_13 = arith.subi %sign3A_9, %sign3A_12 : i32
    %ne3A = arith.cmpi ne, %sign3A_6, %sign3A_13 : i32
    %rem3A = arith.remsi %add3A, %jit3A : i32
    %ne3A_14 = arith.constant 0 : i32
    %ne3A_15 = arith.cmpi ne, %rem3A, %ne3A_14 : i32
    %and3A = arith.andi %ne3A, %ne3A_15 : i1
    %sub3A = arith.constant 1 : i32
    %sub3A_16 = arith.subi %div3A, %sub3A : i32
    %select_n3A = arith.select %and3A, %sub3A_16, %div3A : i32
    %jit3A_17 = arith.constant 4 : i32
    %eq3A = arith.constant 0 : i32
    %eq3A_18 = arith.cmpi eq, %jit3A_17, %eq3A : i32
    %jit3A_19 = arith.constant 1 : i32
    %select_n3A_20 = arith.select %eq3A_18, %jit3A_19, %jit3A_17 : i32
    %rem3A_21 = arith.remsi %add3A, %select_n3A_20 : i32
    %ne3A_22 = arith.constant 0 : i32
    %ne3A_23 = arith.cmpi ne, %rem3A_21, %ne3A_22 : i32
    %lt3A = arith.constant 0 : i32
    %lt3A_24 = arith.cmpi slt, %rem3A_21, %lt3A : i32
    %lt3A_25 = arith.constant 0 : i32
    %lt3A_26 = arith.cmpi slt, %select_n3A_20, %lt3A_25 : i32
    %ne3A_27 = arith.xori %lt3A_24, %lt3A_26 : i1
    %and3A_28 = arith.andi %ne3A_27, %ne3A_23 : i1
    %add3A_29 = arith.addi %rem3A_21, %select_n3A_20 : i32
    %select_n3A_30 = arith.select %and3A_28, %add3A_29, %rem3A_21 : i32
    "tpu.region"() ({
      %run_scoped3A = tpu.sem_alloc : memref<!tpu.dma_semaphore, #tpu.memory_space<semaphore_mem>>
      tpu.enqueue_dma source(%arg3 : memref<64x128xi32, #tpu.memory_space<hbm>>) target(%arg5 : memref<64x128xi32, #tpu.memory_space<vmem>>) target_semaphore(%run_scoped3A : memref<!tpu.dma_semaphore, #tpu.memory_space<semaphore_mem>>)
      tpu.wait_dma2 semaphore(%run_scoped3A : memref<!tpu.dma_semaphore, #tpu.memory_space<semaphore_mem>>) src(%arg3 : memref<64x128xi32, #tpu.memory_space<hbm>>) dst(%arg5 : memref<64x128xi32, #tpu.memory_space<vmem>>)
      tpu.yield
    }) : () -> ()
    %scan3A = arith.constant 0 : i32
    %scan3A_31 = arith.constant 0 : i32
    %scan3A_32 = arith.constant 32 : i32
    %scan3A_33 = arith.addi %scan3A_31, %scan3A_32 : i32
    %scan3A_34 = arith.constant 1 : i32
    scf.for %scan3A_77 = %scan3A_31 to %scan3A_33 step %scan3A_34  : i32 {
      %get3A = arith.index_cast %scan3A_77 : i32 to index
      %get3A_78 = arith.constant 0 : index
      %get3A_79 = tpu.vector_load %arg5[%get3A, %get3A_78] {strides = array<i32>} : memref<64x128xi32, #tpu.memory_space<vmem>>, vector<1x16xi32>,
      %get3A_80 = vector.shape_cast %get3A_79 : vector<1x16xi32> to vector<16xi32>
      %shift_right_arithmetic3A = arith.constant 7 : i32
      %shift_right_arithmetic3A_81 = vector.broadcast %shift_right_arithmetic3A : i32 to vector<16xi32>
      %shift_right_arithmetic3A_82 = arith.shrsi %get3A_80, %shift_right_arithmetic3A_81 : vector<16xi32>
      %shift_left3A = arith.constant 10 : i32
      %shift_left3A_83 = vector.broadcast %shift_left3A : i32 to vector<16xi32>
      %shift_left3A_84 = arith.shli %shift_right_arithmetic3A_82, %shift_left3A_83 : vector<16xi32>
      %and3A_85 = arith.constant 127 : i32
      %and3A_86 = vector.broadcast %and3A_85 : i32 to vector<16xi32>
      %and3A_87 = arith.andi %get3A_80, %and3A_86 : vector<16xi32>
      %or3A = arith.ori %shift_left3A_84, %and3A_87 : vector<16xi32>
      %swap3A = arith.index_cast %scan3A_77 : i32 to index
      %swap3A_88 = arith.constant 0 : index
      %swap3A_89 = tpu.vector_load %arg5[%swap3A, %swap3A_88] {strides = array<i32>} : memref<64x128xi32, #tpu.memory_space<vmem>>, vector<1x16xi32>,
      %swap3A_90 = vector.shape_cast %swap3A_89 : vector<1x16xi32> to vector<16xi32>
      %swap3A_91 = vector.shape_cast %or3A : vector<16xi32> to vector<1x16xi32>
      tpu.vector_store %arg5[%swap3A, %swap3A_88], %swap3A_91 {strides = array<i32>} : memref<64x128xi32, #tpu.memory_space<vmem>>, vector<1x16xi32>,
      %get3A_92 = arith.index_cast %scan3A_77 : i32 to index
      %get3A_93 = arith.constant 16 : index
      %get3A_94 = tpu.vector_load %arg5[%get3A_92, %get3A_93] {strides = array<i32>} : memref<64x128xi32, #tpu.memory_space<vmem>>, vector<1x16xi32>,
      %get3A_95 = vector.shape_cast %get3A_94 : vector<1x16xi32> to vector<16xi32>
      %shift_right_arithmetic3A_96 = arith.constant 7 : i32
      %shift_right_arithmetic3A_97 = vector.broadcast %shift_right_arithmetic3A_96 : i32 to vector<16xi32>
      %shift_right_arithmetic3A_98 = arith.shrsi %get3A_95, %shift_right_arithmetic3A_97 : vector<16xi32>
      %shift_left3A_99 = arith.constant 10 : i32
      %shift_left3A_100 = vector.broadcast %shift_left3A_99 : i32 to vector<16xi32>
      %shift_left3A_101 = arith.shli %shift_right_arithmetic3A_98, %shift_left3A_100 : vector<16xi32>
      %and3A_102 = arith.constant 127 : i32
      %and3A_103 = vector.broadcast %and3A_102 : i32 to vector<16xi32>
      %and3A_104 = arith.andi %get3A_95, %and3A_103 : vector<16xi32>
      %or3A_105 = arith.ori %shift_left3A_101, %and3A_104 : vector<16xi32>
      %swap3A_106 = arith.index_cast %scan3A_77 : i32 to index
      %swap3A_107 = arith.constant 16 : index
      %swap3A_108 = tpu.vector_load %arg5[%swap3A_106, %swap3A_107] {strides = array<i32>} : memref<64x128xi32, #tpu.memory_space<vmem>>, vector<1x16xi32>,
      %swap3A_109 = vector.shape_cast %swap3A_108 : vector<1x16xi32> to vector<16xi32>
      %swap3A_110 = vector.shape_cast %or3A_105 : vector<16xi32> to vector<1x16xi32>
      tpu.vector_store %arg5[%swap3A_106, %swap3A_107], %swap3A_110 {strides = array<i32>} : memref<64x128xi32, #tpu.memory_space<vmem>>, vector<1x16xi32>,
      %get3A_111 = arith.index_cast %scan3A_77 : i32 to index
      %get3A_112 = arith.constant 32 : index
      %get3A_113 = tpu.vector_load %arg5[%get3A_111, %get3A_112] {strides = array<i32>} : memref<64x128xi32, #tpu.memory_space<vmem>>, vector<1x16xi32>,
      %get3A_114 = vector.shape_cast %get3A_113 : vector<1x16xi32> to vector<16xi32>
      %shift_right_arithmetic3A_115 = arith.constant 7 : i32
      %shift_right_arithmetic3A_116 = vector.broadcast %shift_right_arithmetic3A_115 : i32 to vector<16xi32>
      %shift_right_arithmetic3A_117 = arith.shrsi %get3A_114, %shift_right_arithmetic3A_116 : vector<16xi32>
      %shift_left3A_118 = arith.constant 10 : i32
      %shift_left3A_119 = vector.broadcast %shift_left3A_118 : i32 to vector<16xi32>
      %shift_left3A_120 = arith.shli %shift_right_arithmetic3A_117, %shift_left3A_119 : vector<16xi32>
      %and3A_121 = arith.constant 127 : i32
      %and3A_122 = vector.broadcast %and3A_121 : i32 to vector<16xi32>
      %and3A_123 = arith.andi %get3A_114, %and3A_122 : vector<16xi32>
      %or3A_124 = arith.ori %shift_left3A_120, %and3A_123 : vector<16xi32>
      %swap3A_125 = arith.index_cast %scan3A_77 : i32 to index
      %swap3A_126 = arith.constant 32 : index
      %swap3A_127 = tpu.vector_load %arg5[%swap3A_125, %swap3A_126] {strides = array<i32>} : memref<64x128xi32, #tpu.memory_space<vmem>>, vector<1x16xi32>,
      %swap3A_128 = vector.shape_cast %swap3A_127 : vector<1x16xi32> to vector<16xi32>
      %swap3A_129 = vector.shape_cast %or3A_124 : vector<16xi32> to vector<1x16xi32>
      tpu.vector_store %arg5[%swap3A_125, %swap3A_126], %swap3A_129 {strides = array<i32>} : memref<64x128xi32, #tpu.memory_space<vmem>>, vector<1x16xi32>,
      %get3A_130 = arith.index_cast %scan3A_77 : i32 to index
      %get3A_131 = arith.constant 48 : index
      %get3A_132 = tpu.vector_load %arg5[%get3A_130, %get3A_131] {strides = array<i32>} : memref<64x128xi32, #tpu.memory_space<vmem>>, vector<1x16xi32>,
      %get3A_133 = vector.shape_cast %get3A_132 : vector<1x16xi32> to vector<16xi32>
      %shift_right_arithmetic3A_134 = arith.constant 7 : i32
      %shift_right_arithmetic3A_135 = vector.broadcast %shift_right_arithmetic3A_134 : i32 to vector<16xi32>
      %shift_right_arithmetic3A_136 = arith.shrsi %get3A_133, %shift_right_arithmetic3A_135 : vector<16xi32>
      %shift_left3A_137 = arith.constant 10 : i32
      %shift_left3A_138 = vector.broadcast %shift_left3A_137 : i32 to vector<16xi32>
      %shift_left3A_139 = arith.shli %shift_right_arithmetic3A_136, %shift_left3A_138 : vector<16xi32>
      %and3A_140 = arith.constant 127 : i32
      %and3A_141 = vector.broadcast %and3A_140 : i32 to vector<16xi32>
      %and3A_142 = arith.andi %get3A_133, %and3A_141 : vector<16xi32>
      %or3A_143 = arith.ori %shift_left3A_139, %and3A_142 : vector<16xi32>
      %swap3A_144 = arith.index_cast %scan3A_77 : i32 to index
      %swap3A_145 = arith.constant 48 : index
      %swap3A_146 = tpu.vector_load %arg5[%swap3A_144, %swap3A_145] {strides = array<i32>} : memref<64x128xi32, #tpu.memory_space<vmem>>, vector<1x16xi32>,
      %swap3A_147 = vector.shape_cast %swap3A_146 : vector<1x16xi32> to vector<16xi32>
      %swap3A_148 = vector.shape_cast %or3A_143 : vector<16xi32> to vector<1x16xi32>
      tpu.vector_store %arg5[%swap3A_144, %swap3A_145], %swap3A_148 {strides = array<i32>} : memref<64x128xi32, #tpu.memory_space<vmem>>, vector<1x16xi32>,
      %get3A_149 = arith.index_cast %scan3A_77 : i32 to index
      %get3A_150 = arith.constant 64 : index
      %get3A_151 = tpu.vector_load %arg5[%get3A_149, %get3A_150] {strides = array<i32>} : memref<64x128xi32, #tpu.memory_space<vmem>>, vector<1x16xi32>,
      %get3A_152 = vector.shape_cast %get3A_151 : vector<1x16xi32> to vector<16xi32>
      %shift_right_arithmetic3A_153 = arith.constant 7 : i32
      %shift_right_arithmetic3A_154 = vector.broadcast %shift_right_arithmetic3A_153 : i32 to vector<16xi32>
      %shift_right_arithmetic3A_155 = arith.shrsi %get3A_152, %shift_right_arithmetic3A_154 : vector<16xi32>
      %shift_left3A_156 = arith.constant 10 : i32
      %shift_left3A_157 = vector.broadcast %shift_left3A_156 : i32 to vector<16xi32>
      %shift_left3A_158 = arith.shli %shift_right_arithmetic3A_155, %shift_left3A_157 : vector<16xi32>
      %and3A_159 = arith.constant 127 : i32
      %and3A_160 = vector.broadcast %and3A_159 : i32 to vector<16xi32>
      %and3A_161 = arith.andi %get3A_152, %and3A_160 : vector<16xi32>
      %or3A_162 = arith.ori %shift_left3A_158, %and3A_161 : vector<16xi32>
      %swap3A_163 = arith.index_cast %scan3A_77 : i32 to index
      %swap3A_164 = arith.constant 64 : index
      %swap3A_165 = tpu.vector_load %arg5[%swap3A_163, %swap3A_164] {strides = array<i32>} : memref<64x128xi32, #tpu.memory_space<vmem>>, vector<1x16xi32>,
      %swap3A_166 = vector.shape_cast %swap3A_165 : vector<1x16xi32> to vector<16xi32>
      %swap3A_167 = vector.shape_cast %or3A_162 : vector<16xi32> to vector<1x16xi32>
      tpu.vector_store %arg5[%swap3A_163, %swap3A_164], %swap3A_167 {strides = array<i32>} : memref<64x128xi32, #tpu.memory_space<vmem>>, vector<1x16xi32>,
      %get3A_168 = arith.index_cast %scan3A_77 : i32 to index
      %get3A_169 = arith.constant 80 : index
      %get3A_170 = tpu.vector_load %arg5[%get3A_168, %get3A_169] {strides = array<i32>} : memref<64x128xi32, #tpu.memory_space<vmem>>, vector<1x16xi32>,
      %get3A_171 = vector.shape_cast %get3A_170 : vector<1x16xi32> to vector<16xi32>
      %shift_right_arithmetic3A_172 = arith.constant 7 : i32
      %shift_right_arithmetic3A_173 = vector.broadcast %shift_right_arithmetic3A_172 : i32 to vector<16xi32>
      %shift_right_arithmetic3A_174 = arith.shrsi %get3A_171, %shift_right_arithmetic3A_173 : vector<16xi32>
      %shift_left3A_175 = arith.constant 10 : i32
      %shift_left3A_176 = vector.broadcast %shift_left3A_175 : i32 to vector<16xi32>
      %shift_left3A_177 = arith.shli %shift_right_arithmetic3A_174, %shift_left3A_176 : vector<16xi32>
      %and3A_178 = arith.constant 127 : i32
      %and3A_179 = vector.broadcast %and3A_178 : i32 to vector<16xi32>
      %and3A_180 = arith.andi %get3A_171, %and3A_179 : vector<16xi32>
      %or3A_181 = arith.ori %shift_left3A_177, %and3A_180 : vector<16xi32>
      %swap3A_182 = arith.index_cast %scan3A_77 : i32 to index
      %swap3A_183 = arith.constant 80 : index
      %swap3A_184 = tpu.vector_load %arg5[%swap3A_182, %swap3A_183] {strides = array<i32>} : memref<64x128xi32, #tpu.memory_space<vmem>>, vector<1x16xi32>,
      %swap3A_185 = vector.shape_cast %swap3A_184 : vector<1x16xi32> to vector<16xi32>
      %swap3A_186 = vector.shape_cast %or3A_181 : vector<16xi32> to vector<1x16xi32>
      tpu.vector_store %arg5[%swap3A_182, %swap3A_183], %swap3A_186 {strides = array<i32>} : memref<64x128xi32, #tpu.memory_space<vmem>>, vector<1x16xi32>,
      %get3A_187 = arith.index_cast %scan3A_77 : i32 to index
      %get3A_188 = arith.constant 96 : index
      %get3A_189 = tpu.vector_load %arg5[%get3A_187, %get3A_188] {strides = array<i32>} : memref<64x128xi32, #tpu.memory_space<vmem>>, vector<1x16xi32>,
      %get3A_190 = vector.shape_cast %get3A_189 : vector<1x16xi32> to vector<16xi32>
      %shift_right_arithmetic3A_191 = arith.constant 7 : i32
      %shift_right_arithmetic3A_192 = vector.broadcast %shift_right_arithmetic3A_191 : i32 to vector<16xi32>
      %shift_right_arithmetic3A_193 = arith.shrsi %get3A_190, %shift_right_arithmetic3A_192 : vector<16xi32>
      %shift_left3A_194 = arith.constant 10 : i32
      %shift_left3A_195 = vector.broadcast %shift_left3A_194 : i32 to vector<16xi32>
      %shift_left3A_196 = arith.shli %shift_right_arithmetic3A_193, %shift_left3A_195 : vector<16xi32>
      %and3A_197 = arith.constant 127 : i32
      %and3A_198 = vector.broadcast %and3A_197 : i32 to vector<16xi32>
      %and3A_199 = arith.andi %get3A_190, %and3A_198 : vector<16xi32>
      %or3A_200 = arith.ori %shift_left3A_196, %and3A_199 : vector<16xi32>
      %swap3A_201 = arith.index_cast %scan3A_77 : i32 to index
      %swap3A_202 = arith.constant 96 : index
      %swap3A_203 = tpu.vector_load %arg5[%swap3A_201, %swap3A_202] {strides = array<i32>} : memref<64x128xi32, #tpu.memory_space<vmem>>, vector<1x16xi32>,
      %swap3A_204 = vector.shape_cast %swap3A_203 : vector<1x16xi32> to vector<16xi32>
      %swap3A_205 = vector.shape_cast %or3A_200 : vector<16xi32> to vector<1x16xi32>
      tpu.vector_store %arg5[%swap3A_201, %swap3A_202], %swap3A_205 {strides = array<i32>} : memref<64x128xi32, #tpu.memory_space<vmem>>, vector<1x16xi32>,
      %get3A_206 = arith.index_cast %scan3A_77 : i32 to index
      %get3A_207 = arith.constant 112 : index
      %get3A_208 = tpu.vector_load %arg5[%get3A_206, %get3A_207] {strides = array<i32>} : memref<64x128xi32, #tpu.memory_space<vmem>>, vector<1x16xi32>,
      %get3A_209 = vector.shape_cast %get3A_208 : vector<1x16xi32> to vector<16xi32>
      %shift_right_arithmetic3A_210 = arith.constant 7 : i32
      %shift_right_arithmetic3A_211 = vector.broadcast %shift_right_arithmetic3A_210 : i32 to vector<16xi32>
      %shift_right_arithmetic3A_212 = arith.shrsi %get3A_209, %shift_right_arithmetic3A_211 : vector<16xi32>
      %shift_left3A_213 = arith.constant 10 : i32
      %shift_left3A_214 = vector.broadcast %shift_left3A_213 : i32 to vector<16xi32>
      %shift_left3A_215 = arith.shli %shift_right_arithmetic3A_212, %shift_left3A_214 : vector<16xi32>
      %and3A_216 = arith.constant 127 : i32
      %and3A_217 = vector.broadcast %and3A_216 : i32 to vector<16xi32>
      %and3A_218 = arith.andi %get3A_209, %and3A_217 : vector<16xi32>
      %or3A_219 = arith.ori %shift_left3A_215, %and3A_218 : vector<16xi32>
      %swap3A_220 = arith.index_cast %scan3A_77 : i32 to index
      %swap3A_221 = arith.constant 112 : index
      %swap3A_222 = tpu.vector_load %arg5[%swap3A_220, %swap3A_221] {strides = array<i32>} : memref<64x128xi32, #tpu.memory_space<vmem>>, vector<1x16xi32>,
      %swap3A_223 = vector.shape_cast %swap3A_222 : vector<1x16xi32> to vector<16xi32>
      %swap3A_224 = vector.shape_cast %or3A_219 : vector<16xi32> to vector<1x16xi32>
      tpu.vector_store %arg5[%swap3A_220, %swap3A_221], %swap3A_224 {strides = array<i32>} : memref<64x128xi32, #tpu.memory_space<vmem>>, vector<1x16xi32>,
      %dma_start3A = arith.constant 0 : i32
      %dma_start3A_225 = arith.constant 0 : i32
      %dma_start3A_226 = tpu.memref_slice %arg6[%scan3A_77, %dma_start3A, %dma_start3A_225] : memref<64x8x128xf32, #tpu.memory_space<vmem>> -> memref<1x1x128xf32, #tpu.memory_space<vmem>>
      %dma_start3A_227 = tpu.memref_squeeze %dma_start3A_226 : memref<1x1x128xf32, #tpu.memory_space<vmem>> -> memref<128xf32, #tpu.memory_space<vmem>>
      %dma_start3A_228 = arith.constant 0 : i32
      %dma_start3A_229 = tpu.memref_slice %arg5[%scan3A_77, %dma_start3A_228] : memref<64x128xi32, #tpu.memory_space<vmem>> -> memref<1x128xi32, #tpu.memory_space<vmem>>
      %dma_start3A_230 = tpu.memref_squeeze %dma_start3A_229 : memref<1x128xi32, #tpu.memory_space<vmem>> -> memref<128xi32, #tpu.memory_space<vmem>>
      %dma_start3A_231 = arith.constant 0 : i32
      %dma_start3A_232 = tpu.memref_slice %arg2[%select_n3A, %select_n3A_30, %dma_start3A_231] : memref<8x4x2097152xf32, #tpu.memory_space<hbm>> -> memref<1x1x2097152xf32, #tpu.memory_space<hbm>>
      %dma_start3A_233 = tpu.memref_squeeze %dma_start3A_232 : memref<1x1x2097152xf32, #tpu.memory_space<hbm>> -> memref<2097152xf32, #tpu.memory_space<hbm>>
      %dma_start3A_234 = arith.constant 0 : i32
      %dma_start3A_235 = tpu.memref_slice %dma_start3A_233[%dma_start3A_234] : memref<2097152xf32, #tpu.memory_space<hbm>> -> memref<2096256xf32, #tpu.memory_space<hbm>>
      %dma_start3A_236 = arith.constant 0 : i32
      %dma_start3A_237 = tpu.memref_slice %dma_start3A_235[%dma_start3A_236] : memref<2096256xf32, #tpu.memory_space<hbm>> -> memref<2096256xf32, #tpu.memory_space<hbm>>
      tpu.enqueue_indirect_dma source(%dma_start3A_237 : memref<2096256xf32, #tpu.memory_space<hbm>>) target(%dma_start3A_227 : memref<128xf32, #tpu.memory_space<vmem>>) offsets(%dma_start3A_230 : memref<128xi32, #tpu.memory_space<vmem>>) semaphore(%arg7 : memref<!tpu.dma_semaphore, #tpu.memory_space<semaphore_mem>>)
      %dma_start3A_238 = arith.constant 1 : i32
      %dma_start3A_239 = arith.constant 0 : i32
      %dma_start3A_240 = tpu.memref_slice %arg6[%scan3A_77, %dma_start3A_238, %dma_start3A_239] : memref<64x8x128xf32, #tpu.memory_space<vmem>> -> memref<1x1x128xf32, #tpu.memory_space<vmem>>
      %dma_start3A_241 = tpu.memref_squeeze %dma_start3A_240 : memref<1x1x128xf32, #tpu.memory_space<vmem>> -> memref<128xf32, #tpu.memory_space<vmem>>
      %dma_start3A_242 = arith.constant 0 : i32
      %dma_start3A_243 = tpu.memref_slice %arg5[%scan3A_77, %dma_start3A_242] : memref<64x128xi32, #tpu.memory_space<vmem>> -> memref<1x128xi32, #tpu.memory_space<vmem>>
      %dma_start3A_244 = tpu.memref_squeeze %dma_start3A_243 : memref<1x128xi32, #tpu.memory_space<vmem>> -> memref<128xi32, #tpu.memory_space<vmem>>
      %dma_start3A_245 = arith.constant 0 : i32
      %dma_start3A_246 = tpu.memref_slice %arg2[%select_n3A, %select_n3A_30, %dma_start3A_245] : memref<8x4x2097152xf32, #tpu.memory_space<hbm>> -> memref<1x1x2097152xf32, #tpu.memory_space<hbm>>
      %dma_start3A_247 = tpu.memref_squeeze %dma_start3A_246 : memref<1x1x2097152xf32, #tpu.memory_space<hbm>> -> memref<2097152xf32, #tpu.memory_space<hbm>>
      %dma_start3A_248 = arith.constant 128 : i32
      %dma_start3A_249 = tpu.memref_slice %dma_start3A_247[%dma_start3A_248] : memref<2097152xf32, #tpu.memory_space<hbm>> -> memref<2096256xf32, #tpu.memory_space<hbm>>
      %dma_start3A_250 = arith.constant 0 : i32
      %dma_start3A_251 = tpu.memref_slice %dma_start3A_249[%dma_start3A_250] : memref<2096256xf32, #tpu.memory_space<hbm>> -> memref<2096256xf32, #tpu.memory_space<hbm>>
      tpu.enqueue_indirect_dma source(%dma_start3A_251 : memref<2096256xf32, #tpu.memory_space<hbm>>) target(%dma_start3A_241 : memref<128xf32, #tpu.memory_space<vmem>>) offsets(%dma_start3A_244 : memref<128xi32, #tpu.memory_space<vmem>>) semaphore(%arg7 : memref<!tpu.dma_semaphore, #tpu.memory_space<semaphore_mem>>)
      %dma_start3A_252 = arith.constant 2 : i32
      %dma_start3A_253 = arith.constant 0 : i32
      %dma_start3A_254 = tpu.memref_slice %arg6[%scan3A_77, %dma_start3A_252, %dma_start3A_253] : memref<64x8x128xf32, #tpu.memory_space<vmem>> -> memref<1x1x128xf32, #tpu.memory_space<vmem>>
      %dma_start3A_255 = tpu.memref_squeeze %dma_start3A_254 : memref<1x1x128xf32, #tpu.memory_space<vmem>> -> memref<128xf32, #tpu.memory_space<vmem>>
      %dma_start3A_256 = arith.constant 0 : i32
      %dma_start3A_257 = tpu.memref_slice %arg5[%scan3A_77, %dma_start3A_256] : memref<64x128xi32, #tpu.memory_space<vmem>> -> memref<1x128xi32, #tpu.memory_space<vmem>>
      %dma_start3A_258 = tpu.memref_squeeze %dma_start3A_257 : memref<1x128xi32, #tpu.memory_space<vmem>> -> memref<128xi32, #tpu.memory_space<vmem>>
      %dma_start3A_259 = arith.constant 0 : i32
      %dma_start3A_260 = tpu.memref_slice %arg2[%select_n3A, %select_n3A_30, %dma_start3A_259] : memref<8x4x2097152xf32, #tpu.memory_space<hbm>> -> memref<1x1x2097152xf32, #tpu.memory_space<hbm>>
      %dma_start3A_261 = tpu.memref_squeeze %dma_start3A_260 : memref<1x1x2097152xf32, #tpu.memory_space<hbm>> -> memref<2097152xf32, #tpu.memory_space<hbm>>
      %dma_start3A_262 = arith.constant 256 : i32
      %dma_start3A_263 = tpu.memref_slice %dma_start3A_261[%dma_start3A_262] : memref<2097152xf32, #tpu.memory_space<hbm>> -> memref<2096256xf32, #tpu.memory_space<hbm>>
      %dma_start3A_264 = arith.constant 0 : i32
      %dma_start3A_265 = tpu.memref_slice %dma_start3A_263[%dma_start3A_264] : memref<2096256xf32, #tpu.memory_space<hbm>> -> memref<2096256xf32, #tpu.memory_space<hbm>>
      tpu.enqueue_indirect_dma source(%dma_start3A_265 : memref<2096256xf32, #tpu.memory_space<hbm>>) target(%dma_start3A_255 : memref<128xf32, #tpu.memory_space<vmem>>) offsets(%dma_start3A_258 : memref<128xi32, #tpu.memory_space<vmem>>) semaphore(%arg7 : memref<!tpu.dma_semaphore, #tpu.memory_space<semaphore_mem>>)
      %dma_start3A_266 = arith.constant 3 : i32
      %dma_start3A_267 = arith.constant 0 : i32
      %dma_start3A_268 = tpu.memref_slice %arg6[%scan3A_77, %dma_start3A_266, %dma_start3A_267] : memref<64x8x128xf32, #tpu.memory_space<vmem>> -> memref<1x1x128xf32, #tpu.memory_space<vmem>>
      %dma_start3A_269 = tpu.memref_squeeze %dma_start3A_268 : memref<1x1x128xf32, #tpu.memory_space<vmem>> -> memref<128xf32, #tpu.memory_space<vmem>>
      %dma_start3A_270 = arith.constant 0 : i32
      %dma_start3A_271 = tpu.memref_slice %arg5[%scan3A_77, %dma_start3A_270] : memref<64x128xi32, #tpu.memory_space<vmem>> -> memref<1x128xi32, #tpu.memory_space<vmem>>
      %dma_start3A_272 = tpu.memref_squeeze %dma_start3A_271 : memref<1x128xi32, #tpu.memory_space<vmem>> -> memref<128xi32, #tpu.memory_space<vmem>>
      %dma_start3A_273 = arith.constant 0 : i32
      %dma_start3A_274 = tpu.memref_slice %arg2[%select_n3A, %select_n3A_30, %dma_start3A_273] : memref<8x4x2097152xf32, #tpu.memory_space<hbm>> -> memref<1x1x2097152xf32, #tpu.memory_space<hbm>>
      %dma_start3A_275 = tpu.memref_squeeze %dma_start3A_274 : memref<1x1x2097152xf32, #tpu.memory_space<hbm>> -> memref<2097152xf32, #tpu.memory_space<hbm>>
      %dma_start3A_276 = arith.constant 384 : i32
      %dma_start3A_277 = tpu.memref_slice %dma_start3A_275[%dma_start3A_276] : memref<2097152xf32, #tpu.memory_space<hbm>> -> memref<2096256xf32, #tpu.memory_space<hbm>>
      %dma_start3A_278 = arith.constant 0 : i32
      %dma_start3A_279 = tpu.memref_slice %dma_start3A_277[%dma_start3A_278] : memref<2096256xf32, #tpu.memory_space<hbm>> -> memref<2096256xf32, #tpu.memory_space<hbm>>
      tpu.enqueue_indirect_dma source(%dma_start3A_279 : memref<2096256xf32, #tpu.memory_space<hbm>>) target(%dma_start3A_269 : memref<128xf32, #tpu.memory_space<vmem>>) offsets(%dma_start3A_272 : memref<128xi32, #tpu.memory_space<vmem>>) semaphore(%arg7 : memref<!tpu.dma_semaphore, #tpu.memory_space<semaphore_mem>>)
      %dma_start3A_280 = arith.constant 4 : i32
      %dma_start3A_281 = arith.constant 0 : i32
      %dma_start3A_282 = tpu.memref_slice %arg6[%scan3A_77, %dma_start3A_280, %dma_start3A_281] : memref<64x8x128xf32, #tpu.memory_space<vmem>> -> memref<1x1x128xf32, #tpu.memory_space<vmem>>
      %dma_start3A_283 = tpu.memref_squeeze %dma_start3A_282 : memref<1x1x128xf32, #tpu.memory_space<vmem>> -> memref<128xf32, #tpu.memory_space<vmem>>
      %dma_start3A_284 = arith.constant 0 : i32
      %dma_start3A_285 = tpu.memref_slice %arg5[%scan3A_77, %dma_start3A_284] : memref<64x128xi32, #tpu.memory_space<vmem>> -> memref<1x128xi32, #tpu.memory_space<vmem>>
      %dma_start3A_286 = tpu.memref_squeeze %dma_start3A_285 : memref<1x128xi32, #tpu.memory_space<vmem>> -> memref<128xi32, #tpu.memory_space<vmem>>
      %dma_start3A_287 = arith.constant 0 : i32
      %dma_start3A_288 = tpu.memref_slice %arg2[%select_n3A, %select_n3A_30, %dma_start3A_287] : memref<8x4x2097152xf32, #tpu.memory_space<hbm>> -> memref<1x1x2097152xf32, #tpu.memory_space<hbm>>
      %dma_start3A_289 = tpu.memref_squeeze %dma_start3A_288 : memref<1x1x2097152xf32, #tpu.memory_space<hbm>> -> memref<2097152xf32, #tpu.memory_space<hbm>>
      %dma_start3A_290 = arith.constant 512 : i32
      %dma_start3A_291 = tpu.memref_slice %dma_start3A_289[%dma_start3A_290] : memref<2097152xf32, #tpu.memory_space<hbm>> -> memref<2096256xf32, #tpu.memory_space<hbm>>
      %dma_start3A_292 = arith.constant 0 : i32
      %dma_start3A_293 = tpu.memref_slice %dma_start3A_291[%dma_start3A_292] : memref<2096256xf32, #tpu.memory_space<hbm>> -> memref<2096256xf32, #tpu.memory_space<hbm>>
      tpu.enqueue_indirect_dma source(%dma_start3A_293 : memref<2096256xf32, #tpu.memory_space<hbm>>) target(%dma_start3A_283 : memref<128xf32, #tpu.memory_space<vmem>>) offsets(%dma_start3A_286 : memref<128xi32, #tpu.memory_space<vmem>>) semaphore(%arg7 : memref<!tpu.dma_semaphore, #tpu.memory_space<semaphore_mem>>)
      %dma_start3A_294 = arith.constant 5 : i32
      %dma_start3A_295 = arith.constant 0 : i32
      %dma_start3A_296 = tpu.memref_slice %arg6[%scan3A_77, %dma_start3A_294, %dma_start3A_295] : memref<64x8x128xf32, #tpu.memory_space<vmem>> -> memref<1x1x128xf32, #tpu.memory_space<vmem>>
      %dma_start3A_297 = tpu.memref_squeeze %dma_start3A_296 : memref<1x1x128xf32, #tpu.memory_space<vmem>> -> memref<128xf32, #tpu.memory_space<vmem>>
      %dma_start3A_298 = arith.constant 0 : i32
      %dma_start3A_299 = tpu.memref_slice %arg5[%scan3A_77, %dma_start3A_298] : memref<64x128xi32, #tpu.memory_space<vmem>> -> memref<1x128xi32, #tpu.memory_space<vmem>>
      %dma_start3A_300 = tpu.memref_squeeze %dma_start3A_299 : memref<1x128xi32, #tpu.memory_space<vmem>> -> memref<128xi32, #tpu.memory_space<vmem>>
      %dma_start3A_301 = arith.constant 0 : i32
      %dma_start3A_302 = tpu.memref_slice %arg2[%select_n3A, %select_n3A_30, %dma_start3A_301] : memref<8x4x2097152xf32, #tpu.memory_space<hbm>> -> memref<1x1x2097152xf32, #tpu.memory_space<hbm>>
      %dma_start3A_303 = tpu.memref_squeeze %dma_start3A_302 : memref<1x1x2097152xf32, #tpu.memory_space<hbm>> -> memref<2097152xf32, #tpu.memory_space<hbm>>
      %dma_start3A_304 = arith.constant 640 : i32
      %dma_start3A_305 = tpu.memref_slice %dma_start3A_303[%dma_start3A_304] : memref<2097152xf32, #tpu.memory_space<hbm>> -> memref<2096256xf32, #tpu.memory_space<hbm>>
      %dma_start3A_306 = arith.constant 0 : i32
      %dma_start3A_307 = tpu.memref_slice %dma_start3A_305[%dma_start3A_306] : memref<2096256xf32, #tpu.memory_space<hbm>> -> memref<2096256xf32, #tpu.memory_space<hbm>>
      tpu.enqueue_indirect_dma source(%dma_start3A_307 : memref<2096256xf32, #tpu.memory_space<hbm>>) target(%dma_start3A_297 : memref<128xf32, #tpu.memory_space<vmem>>) offsets(%dma_start3A_300 : memref<128xi32, #tpu.memory_space<vmem>>) semaphore(%arg7 : memref<!tpu.dma_semaphore, #tpu.memory_space<semaphore_mem>>)
      %dma_start3A_308 = arith.constant 6 : i32
      %dma_start3A_309 = arith.constant 0 : i32
      %dma_start3A_310 = tpu.memref_slice %arg6[%scan3A_77, %dma_start3A_308, %dma_start3A_309] : memref<64x8x128xf32, #tpu.memory_space<vmem>> -> memref<1x1x128xf32, #tpu.memory_space<vmem>>
      %dma_start3A_311 = tpu.memref_squeeze %dma_start3A_310 : memref<1x1x128xf32, #tpu.memory_space<vmem>> -> memref<128xf32, #tpu.memory_space<vmem>>
      %dma_start3A_312 = arith.constant 0 : i32
      %dma_start3A_313 = tpu.memref_slice %arg5[%scan3A_77, %dma_start3A_312] : memref<64x128xi32, #tpu.memory_space<vmem>> -> memref<1x128xi32, #tpu.memory_space<vmem>>
      %dma_start3A_314 = tpu.memref_squeeze %dma_start3A_313 : memref<1x128xi32, #tpu.memory_space<vmem>> -> memref<128xi32, #tpu.memory_space<vmem>>
      %dma_start3A_315 = arith.constant 0 : i32
      %dma_start3A_316 = tpu.memref_slice %arg2[%select_n3A, %select_n3A_30, %dma_start3A_315] : memref<8x4x2097152xf32, #tpu.memory_space<hbm>> -> memref<1x1x2097152xf32, #tpu.memory_space<hbm>>
      %dma_start3A_317 = tpu.memref_squeeze %dma_start3A_316 : memref<1x1x2097152xf32, #tpu.memory_space<hbm>> -> memref<2097152xf32, #tpu.memory_space<hbm>>
      %dma_start3A_318 = arith.constant 768 : i32
      %dma_start3A_319 = tpu.memref_slice %dma_start3A_317[%dma_start3A_318] : memref<2097152xf32, #tpu.memory_space<hbm>> -> memref<2096256xf32, #tpu.memory_space<hbm>>
      %dma_start3A_320 = arith.constant 0 : i32
      %dma_start3A_321 = tpu.memref_slice %dma_start3A_319[%dma_start3A_320] : memref<2096256xf32, #tpu.memory_space<hbm>> -> memref<2096256xf32, #tpu.memory_space<hbm>>
      tpu.enqueue_indirect_dma source(%dma_start3A_321 : memref<2096256xf32, #tpu.memory_space<hbm>>) target(%dma_start3A_311 : memref<128xf32, #tpu.memory_space<vmem>>) offsets(%dma_start3A_314 : memref<128xi32, #tpu.memory_space<vmem>>) semaphore(%arg7 : memref<!tpu.dma_semaphore, #tpu.memory_space<semaphore_mem>>)
      %dma_start3A_322 = arith.constant 7 : i32
      %dma_start3A_323 = arith.constant 0 : i32
      %dma_start3A_324 = tpu.memref_slice %arg6[%scan3A_77, %dma_start3A_322, %dma_start3A_323] : memref<64x8x128xf32, #tpu.memory_space<vmem>> -> memref<1x1x128xf32, #tpu.memory_space<vmem>>
      %dma_start3A_325 = tpu.memref_squeeze %dma_start3A_324 : memref<1x1x128xf32, #tpu.memory_space<vmem>> -> memref<128xf32, #tpu.memory_space<vmem>>
      %dma_start3A_326 = arith.constant 0 : i32
      %dma_start3A_327 = tpu.memref_slice %arg5[%scan3A_77, %dma_start3A_326] : memref<64x128xi32, #tpu.memory_space<vmem>> -> memref<1x128xi32, #tpu.memory_space<vmem>>
      %dma_start3A_328 = tpu.memref_squeeze %dma_start3A_327 : memref<1x128xi32, #tpu.memory_space<vmem>> -> memref<128xi32, #tpu.memory_space<vmem>>
      %dma_start3A_329 = arith.constant 0 : i32
      %dma_start3A_330 = tpu.memref_slice %arg2[%select_n3A, %select_n3A_30, %dma_start3A_329] : memref<8x4x2097152xf32, #tpu.memory_space<hbm>> -> memref<1x1x2097152xf32, #tpu.memory_space<hbm>>
      %dma_start3A_331 = tpu.memref_squeeze %dma_start3A_330 : memref<1x1x2097152xf32, #tpu.memory_space<hbm>> -> memref<2097152xf32, #tpu.memory_space<hbm>>
      %dma_start3A_332 = arith.constant 896 : i32
      %dma_start3A_333 = tpu.memref_slice %dma_start3A_331[%dma_start3A_332] : memref<2097152xf32, #tpu.memory_space<hbm>> -> memref<2096256xf32, #tpu.memory_space<hbm>>
      %dma_start3A_334 = arith.constant 0 : i32
      %dma_start3A_335 = tpu.memref_slice %dma_start3A_333[%dma_start3A_334] : memref<2096256xf32, #tpu.memory_space<hbm>> -> memref<2096256xf32, #tpu.memory_space<hbm>>
      tpu.enqueue_indirect_dma source(%dma_start3A_335 : memref<2096256xf32, #tpu.memory_space<hbm>>) target(%dma_start3A_325 : memref<128xf32, #tpu.memory_space<vmem>>) offsets(%dma_start3A_328 : memref<128xi32, #tpu.memory_space<vmem>>) semaphore(%arg7 : memref<!tpu.dma_semaphore, #tpu.memory_space<semaphore_mem>>)
    }
    %scan3A_35 = arith.constant 32 : i32
    %scan3A_36 = arith.constant 0 : i32
    %scan3A_37 = arith.constant 32 : i32
    %scan3A_38 = arith.constant 32 : i32
    %scan3A_39 = arith.addi %scan3A_37, %scan3A_38 : i32
    %scan3A_40 = arith.constant 1 : i32
    scf.for %scan3A_77 = %scan3A_37 to %scan3A_39 step %scan3A_40  : i32 {
      %get3A = arith.index_cast %scan3A_77 : i32 to index
      %get3A_78 = arith.constant 0 : index
      %get3A_79 = tpu.vector_load %arg5[%get3A, %get3A_78] {strides = array<i32>} : memref<64x128xi32, #tpu.memory_space<vmem>>, vector<1x16xi32>,
      %get3A_80 = vector.shape_cast %get3A_79 : vector<1x16xi32> to vector<16xi32>
      %shift_right_arithmetic3A = arith.constant 7 : i32
      %shift_right_arithmetic3A_81 = vector.broadcast %shift_right_arithmetic3A : i32 to vector<16xi32>
      %shift_right_arithmetic3A_82 = arith.shrsi %get3A_80, %shift_right_arithmetic3A_81 : vector<16xi32>
      %shift_left3A = arith.constant 10 : i32
      %shift_left3A_83 = vector.broadcast %shift_left3A : i32 to vector<16xi32>
      %shift_left3A_84 = arith.shli %shift_right_arithmetic3A_82, %shift_left3A_83 : vector<16xi32>
      %and3A_85 = arith.constant 127 : i32
      %and3A_86 = vector.broadcast %and3A_85 : i32 to vector<16xi32>
      %and3A_87 = arith.andi %get3A_80, %and3A_86 : vector<16xi32>
      %or3A = arith.ori %shift_left3A_84, %and3A_87 : vector<16xi32>
      %swap3A = arith.index_cast %scan3A_77 : i32 to index
      %swap3A_88 = arith.constant 0 : index
      %swap3A_89 = tpu.vector_load %arg5[%swap3A, %swap3A_88] {strides = array<i32>} : memref<64x128xi32, #tpu.memory_space<vmem>>, vector<1x16xi32>,
      %swap3A_90 = vector.shape_cast %swap3A_89 : vector<1x16xi32> to vector<16xi32>
      %swap3A_91 = vector.shape_cast %or3A : vector<16xi32> to vector<1x16xi32>
      tpu.vector_store %arg5[%swap3A, %swap3A_88], %swap3A_91 {strides = array<i32>} : memref<64x128xi32, #tpu.memory_space<vmem>>, vector<1x16xi32>,
      %get3A_92 = arith.index_cast %scan3A_77 : i32 to index
      %get3A_93 = arith.constant 16 : index
      %get3A_94 = tpu.vector_load %arg5[%get3A_92, %get3A_93] {strides = array<i32>} : memref<64x128xi32, #tpu.memory_space<vmem>>, vector<1x16xi32>,
      %get3A_95 = vector.shape_cast %get3A_94 : vector<1x16xi32> to vector<16xi32>
      %shift_right_arithmetic3A_96 = arith.constant 7 : i32
      %shift_right_arithmetic3A_97 = vector.broadcast %shift_right_arithmetic3A_96 : i32 to vector<16xi32>
      %shift_right_arithmetic3A_98 = arith.shrsi %get3A_95, %shift_right_arithmetic3A_97 : vector<16xi32>
      %shift_left3A_99 = arith.constant 10 : i32
      %shift_left3A_100 = vector.broadcast %shift_left3A_99 : i32 to vector<16xi32>
      %shift_left3A_101 = arith.shli %shift_right_arithmetic3A_98, %shift_left3A_100 : vector<16xi32>
      %and3A_102 = arith.constant 127 : i32
      %and3A_103 = vector.broadcast %and3A_102 : i32 to vector<16xi32>
      %and3A_104 = arith.andi %get3A_95, %and3A_103 : vector<16xi32>
      %or3A_105 = arith.ori %shift_left3A_101, %and3A_104 : vector<16xi32>
      %swap3A_106 = arith.index_cast %scan3A_77 : i32 to index
      %swap3A_107 = arith.constant 16 : index
      %swap3A_108 = tpu.vector_load %arg5[%swap3A_106, %swap3A_107] {strides = array<i32>} : memref<64x128xi32, #tpu.memory_space<vmem>>, vector<1x16xi32>,
      %swap3A_109 = vector.shape_cast %swap3A_108 : vector<1x16xi32> to vector<16xi32>
      %swap3A_110 = vector.shape_cast %or3A_105 : vector<16xi32> to vector<1x16xi32>
      tpu.vector_store %arg5[%swap3A_106, %swap3A_107], %swap3A_110 {strides = array<i32>} : memref<64x128xi32, #tpu.memory_space<vmem>>, vector<1x16xi32>,
      %get3A_111 = arith.index_cast %scan3A_77 : i32 to index
      %get3A_112 = arith.constant 32 : index
      %get3A_113 = tpu.vector_load %arg5[%get3A_111, %get3A_112] {strides = array<i32>} : memref<64x128xi32, #tpu.memory_space<vmem>>, vector<1x16xi32>,
      %get3A_114 = vector.shape_cast %get3A_113 : vector<1x16xi32> to vector<16xi32>
      %shift_right_arithmetic3A_115 = arith.constant 7 : i32
      %shift_right_arithmetic3A_116 = vector.broadcast %shift_right_arithmetic3A_115 : i32 to vector<16xi32>
      %shift_right_arithmetic3A_117 = arith.shrsi %get3A_114, %shift_right_arithmetic3A_116 : vector<16xi32>
      %shift_left3A_118 = arith.constant 10 : i32
      %shift_left3A_119 = vector.broadcast %shift_left3A_118 : i32 to vector<16xi32>
      %shift_left3A_120 = arith.shli %shift_right_arithmetic3A_117, %shift_left3A_119 : vector<16xi32>
      %and3A_121 = arith.constant 127 : i32
      %and3A_122 = vector.broadcast %and3A_121 : i32 to vector<16xi32>
      %and3A_123 = arith.andi %get3A_114, %and3A_122 : vector<16xi32>
      %or3A_124 = arith.ori %shift_left3A_120, %and3A_123 : vector<16xi32>
      %swap3A_125 = arith.index_cast %scan3A_77 : i32 to index
      %swap3A_126 = arith.constant 32 : index
      %swap3A_127 = tpu.vector_load %arg5[%swap3A_125, %swap3A_126] {strides = array<i32>} : memref<64x128xi32, #tpu.memory_space<vmem>>, vector<1x16xi32>,
      %swap3A_128 = vector.shape_cast %swap3A_127 : vector<1x16xi32> to vector<16xi32>
      %swap3A_129 = vector.shape_cast %or3A_124 : vector<16xi32> to vector<1x16xi32>
      tpu.vector_store %arg5[%swap3A_125, %swap3A_126], %swap3A_129 {strides = array<i32>} : memref<64x128xi32, #tpu.memory_space<vmem>>, vector<1x16xi32>,
      %get3A_130 = arith.index_cast %scan3A_77 : i32 to index
      %get3A_131 = arith.constant 48 : index
      %get3A_132 = tpu.vector_load %arg5[%get3A_130, %get3A_131] {strides = array<i32>} : memref<64x128xi32, #tpu.memory_space<vmem>>, vector<1x16xi32>,
      %get3A_133 = vector.shape_cast %get3A_132 : vector<1x16xi32> to vector<16xi32>
      %shift_right_arithmetic3A_134 = arith.constant 7 : i32
      %shift_right_arithmetic3A_135 = vector.broadcast %shift_right_arithmetic3A_134 : i32 to vector<16xi32>
      %shift_right_arithmetic3A_136 = arith.shrsi %get3A_133, %shift_right_arithmetic3A_135 : vector<16xi32>
      %shift_left3A_137 = arith.constant 10 : i32
      %shift_left3A_138 = vector.broadcast %shift_left3A_137 : i32 to vector<16xi32>
      %shift_left3A_139 = arith.shli %shift_right_arithmetic3A_136, %shift_left3A_138 : vector<16xi32>
      %and3A_140 = arith.constant 127 : i32
      %and3A_141 = vector.broadcast %and3A_140 : i32 to vector<16xi32>
      %and3A_142 = arith.andi %get3A_133, %and3A_141 : vector<16xi32>
      %or3A_143 = arith.ori %shift_left3A_139, %and3A_142 : vector<16xi32>
      %swap3A_144 = arith.index_cast %scan3A_77 : i32 to index
      %swap3A_145 = arith.constant 48 : index
      %swap3A_146 = tpu.vector_load %arg5[%swap3A_144, %swap3A_145] {strides = array<i32>} : memref<64x128xi32, #tpu.memory_space<vmem>>, vector<1x16xi32>,
      %swap3A_147 = vector.shape_cast %swap3A_146 : vector<1x16xi32> to vector<16xi32>
      %swap3A_148 = vector.shape_cast %or3A_143 : vector<16xi32> to vector<1x16xi32>
      tpu.vector_store %arg5[%swap3A_144, %swap3A_145], %swap3A_148 {strides = array<i32>} : memref<64x128xi32, #tpu.memory_space<vmem>>, vector<1x16xi32>,
      %get3A_149 = arith.index_cast %scan3A_77 : i32 to index
      %get3A_150 = arith.constant 64 : index
      %get3A_151 = tpu.vector_load %arg5[%get3A_149, %get3A_150] {strides = array<i32>} : memref<64x128xi32, #tpu.memory_space<vmem>>, vector<1x16xi32>,
      %get3A_152 = vector.shape_cast %get3A_151 : vector<1x16xi32> to vector<16xi32>
      %shift_right_arithmetic3A_153 = arith.constant 7 : i32
      %shift_right_arithmetic3A_154 = vector.broadcast %shift_right_arithmetic3A_153 : i32 to vector<16xi32>
      %shift_right_arithmetic3A_155 = arith.shrsi %get3A_152, %shift_right_arithmetic3A_154 : vector<16xi32>
      %shift_left3A_156 = arith.constant 10 : i32
      %shift_left3A_157 = vector.broadcast %shift_left3A_156 : i32 to vector<16xi32>
      %shift_left3A_158 = arith.shli %shift_right_arithmetic3A_155, %shift_left3A_157 : vector<16xi32>
      %and3A_159 = arith.constant 127 : i32
      %and3A_160 = vector.broadcast %and3A_159 : i32 to vector<16xi32>
      %and3A_161 = arith.andi %get3A_152, %and3A_160 : vector<16xi32>
      %or3A_162 = arith.ori %shift_left3A_158, %and3A_161 : vector<16xi32>
      %swap3A_163 = arith.index_cast %scan3A_77 : i32 to index
      %swap3A_164 = arith.constant 64 : index
      %swap3A_165 = tpu.vector_load %arg5[%swap3A_163, %swap3A_164] {strides = array<i32>} : memref<64x128xi32, #tpu.memory_space<vmem>>, vector<1x16xi32>,
      %swap3A_166 = vector.shape_cast %swap3A_165 : vector<1x16xi32> to vector<16xi32>
      %swap3A_167 = vector.shape_cast %or3A_162 : vector<16xi32> to vector<1x16xi32>
      tpu.vector_store %arg5[%swap3A_163, %swap3A_164], %swap3A_167 {strides = array<i32>} : memref<64x128xi32, #tpu.memory_space<vmem>>, vector<1x16xi32>,
      %get3A_168 = arith.index_cast %scan3A_77 : i32 to index
      %get3A_169 = arith.constant 80 : index
      %get3A_170 = tpu.vector_load %arg5[%get3A_168, %get3A_169] {strides = array<i32>} : memref<64x128xi32, #tpu.memory_space<vmem>>, vector<1x16xi32>,
      %get3A_171 = vector.shape_cast %get3A_170 : vector<1x16xi32> to vector<16xi32>
      %shift_right_arithmetic3A_172 = arith.constant 7 : i32
      %shift_right_arithmetic3A_173 = vector.broadcast %shift_right_arithmetic3A_172 : i32 to vector<16xi32>
      %shift_right_arithmetic3A_174 = arith.shrsi %get3A_171, %shift_right_arithmetic3A_173 : vector<16xi32>
      %shift_left3A_175 = arith.constant 10 : i32
      %shift_left3A_176 = vector.broadcast %shift_left3A_175 : i32 to vector<16xi32>
      %shift_left3A_177 = arith.shli %shift_right_arithmetic3A_174, %shift_left3A_176 : vector<16xi32>
      %and3A_178 = arith.constant 127 : i32
      %and3A_179 = vector.broadcast %and3A_178 : i32 to vector<16xi32>
      %and3A_180 = arith.andi %get3A_171, %and3A_179 : vector<16xi32>
      %or3A_181 = arith.ori %shift_left3A_177, %and3A_180 : vector<16xi32>
      %swap3A_182 = arith.index_cast %scan3A_77 : i32 to index
      %swap3A_183 = arith.constant 80 : index
      %swap3A_184 = tpu.vector_load %arg5[%swap3A_182, %swap3A_183] {strides = array<i32>} : memref<64x128xi32, #tpu.memory_space<vmem>>, vector<1x16xi32>,
      %swap3A_185 = vector.shape_cast %swap3A_184 : vector<1x16xi32> to vector<16xi32>
      %swap3A_186 = vector.shape_cast %or3A_181 : vector<16xi32> to vector<1x16xi32>
      tpu.vector_store %arg5[%swap3A_182, %swap3A_183], %swap3A_186 {strides = array<i32>} : memref<64x128xi32, #tpu.memory_space<vmem>>, vector<1x16xi32>,
      %get3A_187 = arith.index_cast %scan3A_77 : i32 to index
      %get3A_188 = arith.constant 96 : index
      %get3A_189 = tpu.vector_load %arg5[%get3A_187, %get3A_188] {strides = array<i32>} : memref<64x128xi32, #tpu.memory_space<vmem>>, vector<1x16xi32>,
      %get3A_190 = vector.shape_cast %get3A_189 : vector<1x16xi32> to vector<16xi32>
      %shift_right_arithmetic3A_191 = arith.constant 7 : i32
      %shift_right_arithmetic3A_192 = vector.broadcast %shift_right_arithmetic3A_191 : i32 to vector<16xi32>
      %shift_right_arithmetic3A_193 = arith.shrsi %get3A_190, %shift_right_arithmetic3A_192 : vector<16xi32>
      %shift_left3A_194 = arith.constant 10 : i32
      %shift_left3A_195 = vector.broadcast %shift_left3A_194 : i32 to vector<16xi32>
      %shift_left3A_196 = arith.shli %shift_right_arithmetic3A_193, %shift_left3A_195 : vector<16xi32>
      %and3A_197 = arith.constant 127 : i32
      %and3A_198 = vector.broadcast %and3A_197 : i32 to vector<16xi32>
      %and3A_199 = arith.andi %get3A_190, %and3A_198 : vector<16xi32>
      %or3A_200 = arith.ori %shift_left3A_196, %and3A_199 : vector<16xi32>
      %swap3A_201 = arith.index_cast %scan3A_77 : i32 to index
      %swap3A_202 = arith.constant 96 : index
      %swap3A_203 = tpu.vector_load %arg5[%swap3A_201, %swap3A_202] {strides = array<i32>} : memref<64x128xi32, #tpu.memory_space<vmem>>, vector<1x16xi32>,
      %swap3A_204 = vector.shape_cast %swap3A_203 : vector<1x16xi32> to vector<16xi32>
      %swap3A_205 = vector.shape_cast %or3A_200 : vector<16xi32> to vector<1x16xi32>
      tpu.vector_store %arg5[%swap3A_201, %swap3A_202], %swap3A_205 {strides = array<i32>} : memref<64x128xi32, #tpu.memory_space<vmem>>, vector<1x16xi32>,
      %get3A_206 = arith.index_cast %scan3A_77 : i32 to index
      %get3A_207 = arith.constant 112 : index
      %get3A_208 = tpu.vector_load %arg5[%get3A_206, %get3A_207] {strides = array<i32>} : memref<64x128xi32, #tpu.memory_space<vmem>>, vector<1x16xi32>,
      %get3A_209 = vector.shape_cast %get3A_208 : vector<1x16xi32> to vector<16xi32>
      %shift_right_arithmetic3A_210 = arith.constant 7 : i32
      %shift_right_arithmetic3A_211 = vector.broadcast %shift_right_arithmetic3A_210 : i32 to vector<16xi32>
      %shift_right_arithmetic3A_212 = arith.shrsi %get3A_209, %shift_right_arithmetic3A_211 : vector<16xi32>
      %shift_left3A_213 = arith.constant 10 : i32
      %shift_left3A_214 = vector.broadcast %shift_left3A_213 : i32 to vector<16xi32>
      %shift_left3A_215 = arith.shli %shift_right_arithmetic3A_212, %shift_left3A_214 : vector<16xi32>
      %and3A_216 = arith.constant 127 : i32
      %and3A_217 = vector.broadcast %and3A_216 : i32 to vector<16xi32>
      %and3A_218 = arith.andi %get3A_209, %and3A_217 : vector<16xi32>
      %or3A_219 = arith.ori %shift_left3A_215, %and3A_218 : vector<16xi32>
      %swap3A_220 = arith.index_cast %scan3A_77 : i32 to index
      %swap3A_221 = arith.constant 112 : index
      %swap3A_222 = tpu.vector_load %arg5[%swap3A_220, %swap3A_221] {strides = array<i32>} : memref<64x128xi32, #tpu.memory_space<vmem>>, vector<1x16xi32>,
      %swap3A_223 = vector.shape_cast %swap3A_222 : vector<1x16xi32> to vector<16xi32>
      %swap3A_224 = vector.shape_cast %or3A_219 : vector<16xi32> to vector<1x16xi32>
      tpu.vector_store %arg5[%swap3A_220, %swap3A_221], %swap3A_224 {strides = array<i32>} : memref<64x128xi32, #tpu.memory_space<vmem>>, vector<1x16xi32>,
      %dma_start3A = arith.constant 0 : i32
      %dma_start3A_225 = arith.constant 0 : i32
      %dma_start3A_226 = tpu.memref_slice %arg6[%scan3A_77, %dma_start3A, %dma_start3A_225] : memref<64x8x128xf32, #tpu.memory_space<vmem>> -> memref<1x1x128xf32, #tpu.memory_space<vmem>>
      %dma_start3A_227 = tpu.memref_squeeze %dma_start3A_226 : memref<1x1x128xf32, #tpu.memory_space<vmem>> -> memref<128xf32, #tpu.memory_space<vmem>>
      %dma_start3A_228 = arith.constant 0 : i32
      %dma_start3A_229 = tpu.memref_slice %arg5[%scan3A_77, %dma_start3A_228] : memref<64x128xi32, #tpu.memory_space<vmem>> -> memref<1x128xi32, #tpu.memory_space<vmem>>
      %dma_start3A_230 = tpu.memref_squeeze %dma_start3A_229 : memref<1x128xi32, #tpu.memory_space<vmem>> -> memref<128xi32, #tpu.memory_space<vmem>>
      %dma_start3A_231 = arith.constant 0 : i32
      %dma_start3A_232 = tpu.memref_slice %arg2[%select_n3A, %select_n3A_30, %dma_start3A_231] : memref<8x4x2097152xf32, #tpu.memory_space<hbm>> -> memref<1x1x2097152xf32, #tpu.memory_space<hbm>>
      %dma_start3A_233 = tpu.memref_squeeze %dma_start3A_232 : memref<1x1x2097152xf32, #tpu.memory_space<hbm>> -> memref<2097152xf32, #tpu.memory_space<hbm>>
      %dma_start3A_234 = arith.constant 0 : i32
      %dma_start3A_235 = tpu.memref_slice %dma_start3A_233[%dma_start3A_234] : memref<2097152xf32, #tpu.memory_space<hbm>> -> memref<2096256xf32, #tpu.memory_space<hbm>>
      %dma_start3A_236 = arith.constant 0 : i32
      %dma_start3A_237 = tpu.memref_slice %dma_start3A_235[%dma_start3A_236] : memref<2096256xf32, #tpu.memory_space<hbm>> -> memref<2096256xf32, #tpu.memory_space<hbm>>
      tpu.enqueue_indirect_dma source(%dma_start3A_237 : memref<2096256xf32, #tpu.memory_space<hbm>>) target(%dma_start3A_227 : memref<128xf32, #tpu.memory_space<vmem>>) offsets(%dma_start3A_230 : memref<128xi32, #tpu.memory_space<vmem>>) semaphore(%arg8 : memref<!tpu.dma_semaphore, #tpu.memory_space<semaphore_mem>>)
      %dma_start3A_238 = arith.constant 1 : i32
      %dma_start3A_239 = arith.constant 0 : i32
      %dma_start3A_240 = tpu.memref_slice %arg6[%scan3A_77, %dma_start3A_238, %dma_start3A_239] : memref<64x8x128xf32, #tpu.memory_space<vmem>> -> memref<1x1x128xf32, #tpu.memory_space<vmem>>
      %dma_start3A_241 = tpu.memref_squeeze %dma_start3A_240 : memref<1x1x128xf32, #tpu.memory_space<vmem>> -> memref<128xf32, #tpu.memory_space<vmem>>
      %dma_start3A_242 = arith.constant 0 : i32
      %dma_start3A_243 = tpu.memref_slice %arg5[%scan3A_77, %dma_start3A_242] : memref<64x128xi32, #tpu.memory_space<vmem>> -> memref<1x128xi32, #tpu.memory_space<vmem>>
      %dma_start3A_244 = tpu.memref_squeeze %dma_start3A_243 : memref<1x128xi32, #tpu.memory_space<vmem>> -> memref<128xi32, #tpu.memory_space<vmem>>
      %dma_start3A_245 = arith.constant 0 : i32
      %dma_start3A_246 = tpu.memref_slice %arg2[%select_n3A, %select_n3A_30, %dma_start3A_245] : memref<8x4x2097152xf32, #tpu.memory_space<hbm>> -> memref<1x1x2097152xf32, #tpu.memory_space<hbm>>
      %dma_start3A_247 = tpu.memref_squeeze %dma_start3A_246 : memref<1x1x2097152xf32, #tpu.memory_space<hbm>> -> memref<2097152xf32, #tpu.memory_space<hbm>>
      %dma_start3A_248 = arith.constant 128 : i32
      %dma_start3A_249 = tpu.memref_slice %dma_start3A_247[%dma_start3A_248] : memref<2097152xf32, #tpu.memory_space<hbm>> -> memref<2096256xf32, #tpu.memory_space<hbm>>
      %dma_start3A_250 = arith.constant 0 : i32
      %dma_start3A_251 = tpu.memref_slice %dma_start3A_249[%dma_start3A_250] : memref<2096256xf32, #tpu.memory_space<hbm>> -> memref<2096256xf32, #tpu.memory_space<hbm>>
      tpu.enqueue_indirect_dma source(%dma_start3A_251 : memref<2096256xf32, #tpu.memory_space<hbm>>) target(%dma_start3A_241 : memref<128xf32, #tpu.memory_space<vmem>>) offsets(%dma_start3A_244 : memref<128xi32, #tpu.memory_space<vmem>>) semaphore(%arg8 : memref<!tpu.dma_semaphore, #tpu.memory_space<semaphore_mem>>)
      %dma_start3A_252 = arith.constant 2 : i32
      %dma_start3A_253 = arith.constant 0 : i32
      %dma_start3A_254 = tpu.memref_slice %arg6[%scan3A_77, %dma_start3A_252, %dma_start3A_253] : memref<64x8x128xf32, #tpu.memory_space<vmem>> -> memref<1x1x128xf32, #tpu.memory_space<vmem>>
      %dma_start3A_255 = tpu.memref_squeeze %dma_start3A_254 : memref<1x1x128xf32, #tpu.memory_space<vmem>> -> memref<128xf32, #tpu.memory_space<vmem>>
      %dma_start3A_256 = arith.constant 0 : i32
      %dma_start3A_257 = tpu.memref_slice %arg5[%scan3A_77, %dma_start3A_256] : memref<64x128xi32, #tpu.memory_space<vmem>> -> memref<1x128xi32, #tpu.memory_space<vmem>>
      %dma_start3A_258 = tpu.memref_squeeze %dma_start3A_257 : memref<1x128xi32, #tpu.memory_space<vmem>> -> memref<128xi32, #tpu.memory_space<vmem>>
      %dma_start3A_259 = arith.constant 0 : i32
      %dma_start3A_260 = tpu.memref_slice %arg2[%select_n3A, %select_n3A_30, %dma_start3A_259] : memref<8x4x2097152xf32, #tpu.memory_space<hbm>> -> memref<1x1x2097152xf32, #tpu.memory_space<hbm>>
      %dma_start3A_261 = tpu.memref_squeeze %dma_start3A_260 : memref<1x1x2097152xf32, #tpu.memory_space<hbm>> -> memref<2097152xf32, #tpu.memory_space<hbm>>
      %dma_start3A_262 = arith.constant 256 : i32
      %dma_start3A_263 = tpu.memref_slice %dma_start3A_261[%dma_start3A_262] : memref<2097152xf32, #tpu.memory_space<hbm>> -> memref<2096256xf32, #tpu.memory_space<hbm>>
      %dma_start3A_264 = arith.constant 0 : i32
      %dma_start3A_265 = tpu.memref_slice %dma_start3A_263[%dma_start3A_264] : memref<2096256xf32, #tpu.memory_space<hbm>> -> memref<2096256xf32, #tpu.memory_space<hbm>>
      tpu.enqueue_indirect_dma source(%dma_start3A_265 : memref<2096256xf32, #tpu.memory_space<hbm>>) target(%dma_start3A_255 : memref<128xf32, #tpu.memory_space<vmem>>) offsets(%dma_start3A_258 : memref<128xi32, #tpu.memory_space<vmem>>) semaphore(%arg8 : memref<!tpu.dma_semaphore, #tpu.memory_space<semaphore_mem>>)
      %dma_start3A_266 = arith.constant 3 : i32
      %dma_start3A_267 = arith.constant 0 : i32
      %dma_start3A_268 = tpu.memref_slice %arg6[%scan3A_77, %dma_start3A_266, %dma_start3A_267] : memref<64x8x128xf32, #tpu.memory_space<vmem>> -> memref<1x1x128xf32, #tpu.memory_space<vmem>>
      %dma_start3A_269 = tpu.memref_squeeze %dma_start3A_268 : memref<1x1x128xf32, #tpu.memory_space<vmem>> -> memref<128xf32, #tpu.memory_space<vmem>>
      %dma_start3A_270 = arith.constant 0 : i32
      %dma_start3A_271 = tpu.memref_slice %arg5[%scan3A_77, %dma_start3A_270] : memref<64x128xi32, #tpu.memory_space<vmem>> -> memref<1x128xi32, #tpu.memory_space<vmem>>
      %dma_start3A_272 = tpu.memref_squeeze %dma_start3A_271 : memref<1x128xi32, #tpu.memory_space<vmem>> -> memref<128xi32, #tpu.memory_space<vmem>>
      %dma_start3A_273 = arith.constant 0 : i32
      %dma_start3A_274 = tpu.memref_slice %arg2[%select_n3A, %select_n3A_30, %dma_start3A_273] : memref<8x4x2097152xf32, #tpu.memory_space<hbm>> -> memref<1x1x2097152xf32, #tpu.memory_space<hbm>>
      %dma_start3A_275 = tpu.memref_squeeze %dma_start3A_274 : memref<1x1x2097152xf32, #tpu.memory_space<hbm>> -> memref<2097152xf32, #tpu.memory_space<hbm>>
      %dma_start3A_276 = arith.constant 384 : i32
      %dma_start3A_277 = tpu.memref_slice %dma_start3A_275[%dma_start3A_276] : memref<2097152xf32, #tpu.memory_space<hbm>> -> memref<2096256xf32, #tpu.memory_space<hbm>>
      %dma_start3A_278 = arith.constant 0 : i32
      %dma_start3A_279 = tpu.memref_slice %dma_start3A_277[%dma_start3A_278] : memref<2096256xf32, #tpu.memory_space<hbm>> -> memref<2096256xf32, #tpu.memory_space<hbm>>
      tpu.enqueue_indirect_dma source(%dma_start3A_279 : memref<2096256xf32, #tpu.memory_space<hbm>>) target(%dma_start3A_269 : memref<128xf32, #tpu.memory_space<vmem>>) offsets(%dma_start3A_272 : memref<128xi32, #tpu.memory_space<vmem>>) semaphore(%arg8 : memref<!tpu.dma_semaphore, #tpu.memory_space<semaphore_mem>>)
      %dma_start3A_280 = arith.constant 4 : i32
      %dma_start3A_281 = arith.constant 0 : i32
      %dma_start3A_282 = tpu.memref_slice %arg6[%scan3A_77, %dma_start3A_280, %dma_start3A_281] : memref<64x8x128xf32, #tpu.memory_space<vmem>> -> memref<1x1x128xf32, #tpu.memory_space<vmem>>
      %dma_start3A_283 = tpu.memref_squeeze %dma_start3A_282 : memref<1x1x128xf32, #tpu.memory_space<vmem>> -> memref<128xf32, #tpu.memory_space<vmem>>
      %dma_start3A_284 = arith.constant 0 : i32
      %dma_start3A_285 = tpu.memref_slice %arg5[%scan3A_77, %dma_start3A_284] : memref<64x128xi32, #tpu.memory_space<vmem>> -> memref<1x128xi32, #tpu.memory_space<vmem>>
      %dma_start3A_286 = tpu.memref_squeeze %dma_start3A_285 : memref<1x128xi32, #tpu.memory_space<vmem>> -> memref<128xi32, #tpu.memory_space<vmem>>
      %dma_start3A_287 = arith.constant 0 : i32
      %dma_start3A_288 = tpu.memref_slice %arg2[%select_n3A, %select_n3A_30, %dma_start3A_287] : memref<8x4x2097152xf32, #tpu.memory_space<hbm>> -> memref<1x1x2097152xf32, #tpu.memory_space<hbm>>
      %dma_start3A_289 = tpu.memref_squeeze %dma_start3A_288 : memref<1x1x2097152xf32, #tpu.memory_space<hbm>> -> memref<2097152xf32, #tpu.memory_space<hbm>>
      %dma_start3A_290 = arith.constant 512 : i32
      %dma_start3A_291 = tpu.memref_slice %dma_start3A_289[%dma_start3A_290] : memref<2097152xf32, #tpu.memory_space<hbm>> -> memref<2096256xf32, #tpu.memory_space<hbm>>
      %dma_start3A_292 = arith.constant 0 : i32
      %dma_start3A_293 = tpu.memref_slice %dma_start3A_291[%dma_start3A_292] : memref<2096256xf32, #tpu.memory_space<hbm>> -> memref<2096256xf32, #tpu.memory_space<hbm>>
      tpu.enqueue_indirect_dma source(%dma_start3A_293 : memref<2096256xf32, #tpu.memory_space<hbm>>) target(%dma_start3A_283 : memref<128xf32, #tpu.memory_space<vmem>>) offsets(%dma_start3A_286 : memref<128xi32, #tpu.memory_space<vmem>>) semaphore(%arg8 : memref<!tpu.dma_semaphore, #tpu.memory_space<semaphore_mem>>)
      %dma_start3A_294 = arith.constant 5 : i32
      %dma_start3A_295 = arith.constant 0 : i32
      %dma_start3A_296 = tpu.memref_slice %arg6[%scan3A_77, %dma_start3A_294, %dma_start3A_295] : memref<64x8x128xf32, #tpu.memory_space<vmem>> -> memref<1x1x128xf32, #tpu.memory_space<vmem>>
      %dma_start3A_297 = tpu.memref_squeeze %dma_start3A_296 : memref<1x1x128xf32, #tpu.memory_space<vmem>> -> memref<128xf32, #tpu.memory_space<vmem>>
      %dma_start3A_298 = arith.constant 0 : i32
      %dma_start3A_299 = tpu.memref_slice %arg5[%scan3A_77, %dma_start3A_298] : memref<64x128xi32, #tpu.memory_space<vmem>> -> memref<1x128xi32, #tpu.memory_space<vmem>>
      %dma_start3A_300 = tpu.memref_squeeze %dma_start3A_299 : memref<1x128xi32, #tpu.memory_space<vmem>> -> memref<128xi32, #tpu.memory_space<vmem>>
      %dma_start3A_301 = arith.constant 0 : i32
      %dma_start3A_302 = tpu.memref_slice %arg2[%select_n3A, %select_n3A_30, %dma_start3A_301] : memref<8x4x2097152xf32, #tpu.memory_space<hbm>> -> memref<1x1x2097152xf32, #tpu.memory_space<hbm>>
      %dma_start3A_303 = tpu.memref_squeeze %dma_start3A_302 : memref<1x1x2097152xf32, #tpu.memory_space<hbm>> -> memref<2097152xf32, #tpu.memory_space<hbm>>
      %dma_start3A_304 = arith.constant 640 : i32
      %dma_start3A_305 = tpu.memref_slice %dma_start3A_303[%dma_start3A_304] : memref<2097152xf32, #tpu.memory_space<hbm>> -> memref<2096256xf32, #tpu.memory_space<hbm>>
      %dma_start3A_306 = arith.constant 0 : i32
      %dma_start3A_307 = tpu.memref_slice %dma_start3A_305[%dma_start3A_306] : memref<2096256xf32, #tpu.memory_space<hbm>> -> memref<2096256xf32, #tpu.memory_space<hbm>>
      tpu.enqueue_indirect_dma source(%dma_start3A_307 : memref<2096256xf32, #tpu.memory_space<hbm>>) target(%dma_start3A_297 : memref<128xf32, #tpu.memory_space<vmem>>) offsets(%dma_start3A_300 : memref<128xi32, #tpu.memory_space<vmem>>) semaphore(%arg8 : memref<!tpu.dma_semaphore, #tpu.memory_space<semaphore_mem>>)
      %dma_start3A_308 = arith.constant 6 : i32
      %dma_start3A_309 = arith.constant 0 : i32
      %dma_start3A_310 = tpu.memref_slice %arg6[%scan3A_77, %dma_start3A_308, %dma_start3A_309] : memref<64x8x128xf32, #tpu.memory_space<vmem>> -> memref<1x1x128xf32, #tpu.memory_space<vmem>>
      %dma_start3A_311 = tpu.memref_squeeze %dma_start3A_310 : memref<1x1x128xf32, #tpu.memory_space<vmem>> -> memref<128xf32, #tpu.memory_space<vmem>>
      %dma_start3A_312 = arith.constant 0 : i32
      %dma_start3A_313 = tpu.memref_slice %arg5[%scan3A_77, %dma_start3A_312] : memref<64x128xi32, #tpu.memory_space<vmem>> -> memref<1x128xi32, #tpu.memory_space<vmem>>
      %dma_start3A_314 = tpu.memref_squeeze %dma_start3A_313 : memref<1x128xi32, #tpu.memory_space<vmem>> -> memref<128xi32, #tpu.memory_space<vmem>>
      %dma_start3A_315 = arith.constant 0 : i32
      %dma_start3A_316 = tpu.memref_slice %arg2[%select_n3A, %select_n3A_30, %dma_start3A_315] : memref<8x4x2097152xf32, #tpu.memory_space<hbm>> -> memref<1x1x2097152xf32, #tpu.memory_space<hbm>>
      %dma_start3A_317 = tpu.memref_squeeze %dma_start3A_316 : memref<1x1x2097152xf32, #tpu.memory_space<hbm>> -> memref<2097152xf32, #tpu.memory_space<hbm>>
      %dma_start3A_318 = arith.constant 768 : i32
      %dma_start3A_319 = tpu.memref_slice %dma_start3A_317[%dma_start3A_318] : memref<2097152xf32, #tpu.memory_space<hbm>> -> memref<2096256xf32, #tpu.memory_space<hbm>>
      %dma_start3A_320 = arith.constant 0 : i32
      %dma_start3A_321 = tpu.memref_slice %dma_start3A_319[%dma_start3A_320] : memref<2096256xf32, #tpu.memory_space<hbm>> -> memref<2096256xf32, #tpu.memory_space<hbm>>
      tpu.enqueue_indirect_dma source(%dma_start3A_321 : memref<2096256xf32, #tpu.memory_space<hbm>>) target(%dma_start3A_311 : memref<128xf32, #tpu.memory_space<vmem>>) offsets(%dma_start3A_314 : memref<128xi32, #tpu.memory_space<vmem>>) semaphore(%arg8 : memref<!tpu.dma_semaphore, #tpu.memory_space<semaphore_mem>>)
      %dma_start3A_322 = arith.constant 7 : i32
      %dma_start3A_323 = arith.constant 0 : i32
      %dma_start3A_324 = tpu.memref_slice %arg6[%scan3A_77, %dma_start3A_322, %dma_start3A_323] : memref<64x8x128xf32, #tpu.memory_space<vmem>> -> memref<1x1x128xf32, #tpu.memory_space<vmem>>
      %dma_start3A_325 = tpu.memref_squeeze %dma_start3A_324 : memref<1x1x128xf32, #tpu.memory_space<vmem>> -> memref<128xf32, #tpu.memory_space<vmem>>
      %dma_start3A_326 = arith.constant 0 : i32
      %dma_start3A_327 = tpu.memref_slice %arg5[%scan3A_77, %dma_start3A_326] : memref<64x128xi32, #tpu.memory_space<vmem>> -> memref<1x128xi32, #tpu.memory_space<vmem>>
      %dma_start3A_328 = tpu.memref_squeeze %dma_start3A_327 : memref<1x128xi32, #tpu.memory_space<vmem>> -> memref<128xi32, #tpu.memory_space<vmem>>
      %dma_start3A_329 = arith.constant 0 : i32
      %dma_start3A_330 = tpu.memref_slice %arg2[%select_n3A, %select_n3A_30, %dma_start3A_329] : memref<8x4x2097152xf32, #tpu.memory_space<hbm>> -> memref<1x1x2097152xf32, #tpu.memory_space<hbm>>
      %dma_start3A_331 = tpu.memref_squeeze %dma_start3A_330 : memref<1x1x2097152xf32, #tpu.memory_space<hbm>> -> memref<2097152xf32, #tpu.memory_space<hbm>>
      %dma_start3A_332 = arith.constant 896 : i32
      %dma_start3A_333 = tpu.memref_slice %dma_start3A_331[%dma_start3A_332] : memref<2097152xf32, #tpu.memory_space<hbm>> -> memref<2096256xf32, #tpu.memory_space<hbm>>
      %dma_start3A_334 = arith.constant 0 : i32
      %dma_start3A_335 = tpu.memref_slice %dma_start3A_333[%dma_start3A_334] : memref<2096256xf32, #tpu.memory_space<hbm>> -> memref<2096256xf32, #tpu.memory_space<hbm>>
      tpu.enqueue_indirect_dma source(%dma_start3A_335 : memref<2096256xf32, #tpu.memory_space<hbm>>) target(%dma_start3A_325 : memref<128xf32, #tpu.memory_space<vmem>>) offsets(%dma_start3A_328 : memref<128xi32, #tpu.memory_space<vmem>>) semaphore(%arg8 : memref<!tpu.dma_semaphore, #tpu.memory_space<semaphore_mem>>)
    }
    %scan3A_41 = arith.constant 32 : i32
    %dma_wait3A = arith.constant 0 : i32
    %dma_wait3A_42 = arith.constant 0 : i32
    %dma_wait3A_43 = arith.constant 0 : i32
    %dma_wait3A_44 = tpu.memref_slice %arg6[%dma_wait3A, %dma_wait3A_42, %dma_wait3A_43] : memref<64x8x128xf32, #tpu.memory_space<vmem>> -> memref<32x8x128xf32, #tpu.memory_space<vmem>>
    %dma_wait3A_45 = arith.constant 0 : i32
    %dma_wait3A_46 = arith.constant 0 : i32
    %dma_wait3A_47 = arith.constant 0 : i32
    %dma_wait3A_48 = tpu.memref_slice %arg4[%select_n3A, %select_n3A_30, %dma_wait3A_45, %dma_wait3A_46, %dma_wait3A_47] : memref<8x4x64x8x128xf32, #tpu.memory_space<hbm>> -> memref<1x1x32x8x128xf32, #tpu.memory_space<hbm>>
    %dma_wait3A_49 = tpu.memref_squeeze %dma_wait3A_48 : memref<1x1x32x8x128xf32, #tpu.memory_space<hbm>> -> memref<32x8x128xf32, #tpu.memory_space<hbm>>
    %dma_wait3A_50 = arith.constant 0 : i32
    %dma_wait3A_51 = arith.constant 0 : i32
    %dma_wait3A_52 = arith.constant 0 : i32
    %dma_wait3A_53 = tpu.memref_slice %arg6[%dma_wait3A_50, %dma_wait3A_51, %dma_wait3A_52] : memref<64x8x128xf32, #tpu.memory_space<vmem>> -> memref<32x8x128xf32, #tpu.memory_space<vmem>>
    %dma_wait3A_54 = arith.constant 0 : i32
    %dma_wait3A_55 = arith.constant 0 : i32
    %dma_wait3A_56 = arith.constant 0 : i32
    %dma_wait3A_57 = tpu.memref_slice %arg4[%select_n3A, %select_n3A_30, %dma_wait3A_54, %dma_wait3A_55, %dma_wait3A_56] : memref<8x4x64x8x128xf32, #tpu.memory_space<hbm>> -> memref<1x1x32x8x128xf32, #tpu.memory_space<hbm>>
    %dma_wait3A_58 = tpu.memref_squeeze %dma_wait3A_57 : memref<1x1x32x8x128xf32, #tpu.memory_space<hbm>> -> memref<32x8x128xf32, #tpu.memory_space<hbm>>
    tpu.wait_dma2 semaphore(%arg7 : memref<!tpu.dma_semaphore, #tpu.memory_space<semaphore_mem>>) src(%dma_wait3A_58 : memref<32x8x128xf32, #tpu.memory_space<hbm>>) dst(%dma_wait3A_53 : memref<32x8x128xf32, #tpu.memory_space<vmem>>)
    "tpu.region"() ({
      %run_scoped3A = tpu.sem_alloc : memref<!tpu.dma_semaphore, #tpu.memory_space<semaphore_mem>>
      %dma_start3A = arith.constant 0 : i32
      %dma_start3A_77 = arith.constant 0 : i32
      %dma_start3A_78 = arith.constant 0 : i32
      %dma_start3A_79 = tpu.memref_slice %arg6[%dma_start3A, %dma_start3A_77, %dma_start3A_78] : memref<64x8x128xf32, #tpu.memory_space<vmem>> -> memref<32x8x128xf32, #tpu.memory_space<vmem>>
      %dma_start3A_80 = arith.constant 0 : i32
      %dma_start3A_81 = arith.constant 0 : i32
      %dma_start3A_82 = arith.constant 0 : i32
      %dma_start3A_83 = tpu.memref_slice %arg4[%select_n3A, %select_n3A_30, %dma_start3A_80, %dma_start3A_81, %dma_start3A_82] : memref<8x4x64x8x128xf32, #tpu.memory_space<hbm>> -> memref<1x1x32x8x128xf32, #tpu.memory_space<hbm>>
      %dma_start3A_84 = tpu.memref_squeeze %dma_start3A_83 : memref<1x1x32x8x128xf32, #tpu.memory_space<hbm>> -> memref<32x8x128xf32, #tpu.memory_space<hbm>>
      %dma_start3A_85 = arith.constant 0 : i32
      %dma_start3A_86 = arith.constant 0 : i32
      %dma_start3A_87 = arith.constant 0 : i32
      %dma_start3A_88 = tpu.memref_slice %arg4[%select_n3A, %select_n3A_30, %dma_start3A_85, %dma_start3A_86, %dma_start3A_87] : memref<8x4x64x8x128xf32, #tpu.memory_space<hbm>> -> memref<1x1x32x8x128xf32, #tpu.memory_space<hbm>>
      %dma_start3A_89 = tpu.memref_squeeze %dma_start3A_88 : memref<1x1x32x8x128xf32, #tpu.memory_space<hbm>> -> memref<32x8x128xf32, #tpu.memory_space<hbm>>
      %dma_start3A_90 = arith.constant 0 : i32
      %dma_start3A_91 = arith.constant 0 : i32
      %dma_start3A_92 = arith.constant 0 : i32
      %dma_start3A_93 = tpu.memref_slice %arg6[%dma_start3A_90, %dma_start3A_91, %dma_start3A_92] : memref<64x8x128xf32, #tpu.memory_space<vmem>> -> memref<32x8x128xf32, #tpu.memory_space<vmem>>
      tpu.enqueue_dma source(%dma_start3A_93 : memref<32x8x128xf32, #tpu.memory_space<vmem>>) target(%dma_start3A_89 : memref<32x8x128xf32, #tpu.memory_space<hbm>>) target_semaphore(%run_scoped3A : memref<!tpu.dma_semaphore, #tpu.memory_space<semaphore_mem>>)
      %dma_wait3A_94 = arith.constant 0 : i32
      %dma_wait3A_95 = arith.constant 0 : i32
      %dma_wait3A_96 = arith.constant 0 : i32
      %dma_wait3A_97 = tpu.memref_slice %arg6[%dma_wait3A_94, %dma_wait3A_95, %dma_wait3A_96] : memref<64x8x128xf32, #tpu.memory_space<vmem>> -> memref<32x8x128xf32, #tpu.memory_space<vmem>>
      %dma_wait3A_98 = arith.constant 0 : i32
      %dma_wait3A_99 = arith.constant 0 : i32
      %dma_wait3A_100 = arith.constant 0 : i32
      %dma_wait3A_101 = tpu.memref_slice %arg4[%select_n3A, %select_n3A_30, %dma_wait3A_98, %dma_wait3A_99, %dma_wait3A_100] : memref<8x4x64x8x128xf32, #tpu.memory_space<hbm>> -> memref<1x1x32x8x128xf32, #tpu.memory_space<hbm>>
      %dma_wait3A_102 = tpu.memref_squeeze %dma_wait3A_101 : memref<1x1x32x8x128xf32, #tpu.memory_space<hbm>> -> memref<32x8x128xf32, #tpu.memory_space<hbm>>
      %dma_wait3A_103 = arith.constant 0 : i32
      %dma_wait3A_104 = arith.constant 0 : i32
      %dma_wait3A_105 = arith.constant 0 : i32
      %dma_wait3A_106 = tpu.memref_slice %arg4[%select_n3A, %select_n3A_30, %dma_wait3A_103, %dma_wait3A_104, %dma_wait3A_105] : memref<8x4x64x8x128xf32, #tpu.memory_space<hbm>> -> memref<1x1x32x8x128xf32, #tpu.memory_space<hbm>>
      %dma_wait3A_107 = tpu.memref_squeeze %dma_wait3A_106 : memref<1x1x32x8x128xf32, #tpu.memory_space<hbm>> -> memref<32x8x128xf32, #tpu.memory_space<hbm>>
      %dma_wait3A_108 = arith.constant 0 : i32
      %dma_wait3A_109 = arith.constant 0 : i32
      %dma_wait3A_110 = arith.constant 0 : i32
      %dma_wait3A_111 = tpu.memref_slice %arg6[%dma_wait3A_108, %dma_wait3A_109, %dma_wait3A_110] : memref<64x8x128xf32, #tpu.memory_space<vmem>> -> memref<32x8x128xf32, #tpu.memory_space<vmem>>
      tpu.wait_dma2 semaphore(%run_scoped3A : memref<!tpu.dma_semaphore, #tpu.memory_space<semaphore_mem>>) src(%dma_wait3A_111 : memref<32x8x128xf32, #tpu.memory_space<vmem>>) dst(%dma_wait3A_107 : memref<32x8x128xf32, #tpu.memory_space<hbm>>)
      tpu.yield
    }) : () -> ()
    %dma_wait3A_59 = arith.constant 32 : i32
    %dma_wait3A_60 = arith.constant 0 : i32
    %dma_wait3A_61 = arith.constant 0 : i32
    %dma_wait3A_62 = tpu.memref_slice %arg6[%dma_wait3A_59, %dma_wait3A_60, %dma_wait3A_61] : memref<64x8x128xf32, #tpu.memory_space<vmem>> -> memref<32x8x128xf32, #tpu.memory_space<vmem>>
    %dma_wait3A_63 = arith.constant 32 : i32
    %dma_wait3A_64 = arith.constant 0 : i32
    %dma_wait3A_65 = arith.constant 0 : i32
    %dma_wait3A_66 = tpu.memref_slice %arg4[%select_n3A, %select_n3A_30, %dma_wait3A_63, %dma_wait3A_64, %dma_wait3A_65] : memref<8x4x64x8x128xf32, #tpu.memory_space<hbm>> -> memref<1x1x32x8x128xf32, #tpu.memory_space<hbm>>
    %dma_wait3A_67 = tpu.memref_squeeze %dma_wait3A_66 : memref<1x1x32x8x128xf32, #tpu.memory_space<hbm>> -> memref<32x8x128xf32, #tpu.memory_space<hbm>>
    %dma_wait3A_68 = arith.constant 32 : i32
    %dma_wait3A_69 = arith.constant 0 : i32
    %dma_wait3A_70 = arith.constant 0 : i32
    %dma_wait3A_71 = tpu.memref_slice %arg6[%dma_wait3A_68, %dma_wait3A_69, %dma_wait3A_70] : memref<64x8x128xf32, #tpu.memory_space<vmem>> -> memref<32x8x128xf32, #tpu.memory_space<vmem>>
    %dma_wait3A_72 = arith.constant 32 : i32
    %dma_wait3A_73 = arith.constant 0 : i32
    %dma_wait3A_74 = arith.constant 0 : i32
    %dma_wait3A_75 = tpu.memref_slice %arg4[%select_n3A, %select_n3A_30, %dma_wait3A_72, %dma_wait3A_73, %dma_wait3A_74] : memref<8x4x64x8x128xf32, #tpu.memory_space<hbm>> -> memref<1x1x32x8x128xf32, #tpu.memory_space<hbm>>
    %dma_wait3A_76 = tpu.memref_squeeze %dma_wait3A_75 : memref<1x1x32x8x128xf32, #tpu.memory_space<hbm>> -> memref<32x8x128xf32, #tpu.memory_space<hbm>>
    tpu.wait_dma2 semaphore(%arg8 : memref<!tpu.dma_semaphore, #tpu.memory_space<semaphore_mem>>) src(%dma_wait3A_76 : memref<32x8x128xf32, #tpu.memory_space<hbm>>) dst(%dma_wait3A_71 : memref<32x8x128xf32, #tpu.memory_space<vmem>>)
    "tpu.region"() ({
      %run_scoped3A = tpu.sem_alloc : memref<!tpu.dma_semaphore, #tpu.memory_space<semaphore_mem>>
      %dma_start3A = arith.constant 32 : i32
      %dma_start3A_77 = arith.constant 0 : i32
      %dma_start3A_78 = arith.constant 0 : i32
      %dma_start3A_79 = tpu.memref_slice %arg6[%dma_start3A, %dma_start3A_77, %dma_start3A_78] : memref<64x8x128xf32, #tpu.memory_space<vmem>> -> memref<32x8x128xf32, #tpu.memory_space<vmem>>
      %dma_start3A_80 = arith.constant 32 : i32
      %dma_start3A_81 = arith.constant 0 : i32
      %dma_start3A_82 = arith.constant 0 : i32
      %dma_start3A_83 = tpu.memref_slice %arg4[%select_n3A, %select_n3A_30, %dma_start3A_80, %dma_start3A_81, %dma_start3A_82] : memref<8x4x64x8x128xf32, #tpu.memory_space<hbm>> -> memref<1x1x32x8x128xf32, #tpu.memory_space<hbm>>
      %dma_start3A_84 = tpu.memref_squeeze %dma_start3A_83 : memref<1x1x32x8x128xf32, #tpu.memory_space<hbm>> -> memref<32x8x128xf32, #tpu.memory_space<hbm>>
      %dma_start3A_85 = arith.constant 32 : i32
      %dma_start3A_86 = arith.constant 0 : i32
      %dma_start3A_87 = arith.constant 0 : i32
      %dma_start3A_88 = tpu.memref_slice %arg4[%select_n3A, %select_n3A_30, %dma_start3A_85, %dma_start3A_86, %dma_start3A_87] : memref<8x4x64x8x128xf32, #tpu.memory_space<hbm>> -> memref<1x1x32x8x128xf32, #tpu.memory_space<hbm>>
      %dma_start3A_89 = tpu.memref_squeeze %dma_start3A_88 : memref<1x1x32x8x128xf32, #tpu.memory_space<hbm>> -> memref<32x8x128xf32, #tpu.memory_space<hbm>>
      %dma_start3A_90 = arith.constant 32 : i32
      %dma_start3A_91 = arith.constant 0 : i32
      %dma_start3A_92 = arith.constant 0 : i32
      %dma_start3A_93 = tpu.memref_slice %arg6[%dma_start3A_90, %dma_start3A_91, %dma_start3A_92] : memref<64x8x128xf32, #tpu.memory_space<vmem>> -> memref<32x8x128xf32, #tpu.memory_space<vmem>>
      tpu.enqueue_dma source(%dma_start3A_93 : memref<32x8x128xf32, #tpu.memory_space<vmem>>) target(%dma_start3A_89 : memref<32x8x128xf32, #tpu.memory_space<hbm>>) target_semaphore(%run_scoped3A : memref<!tpu.dma_semaphore, #tpu.memory_space<semaphore_mem>>)
      %dma_wait3A_94 = arith.constant 32 : i32
      %dma_wait3A_95 = arith.constant 0 : i32
      %dma_wait3A_96 = arith.constant 0 : i32
      %dma_wait3A_97 = tpu.memref_slice %arg6[%dma_wait3A_94, %dma_wait3A_95, %dma_wait3A_96] : memref<64x8x128xf32, #tpu.memory_space<vmem>> -> memref<32x8x128xf32, #tpu.memory_space<vmem>>
      %dma_wait3A_98 = arith.constant 32 : i32
      %dma_wait3A_99 = arith.constant 0 : i32
      %dma_wait3A_100 = arith.constant 0 : i32
      %dma_wait3A_101 = tpu.memref_slice %arg4[%select_n3A, %select_n3A_30, %dma_wait3A_98, %dma_wait3A_99, %dma_wait3A_100] : memref<8x4x64x8x128xf32, #tpu.memory_space<hbm>> -> memref<1x1x32x8x128xf32, #tpu.memory_space<hbm>>
      %dma_wait3A_102 = tpu.memref_squeeze %dma_wait3A_101 : memref<1x1x32x8x128xf32, #tpu.memory_space<hbm>> -> memref<32x8x128xf32, #tpu.memory_space<hbm>>
      %dma_wait3A_103 = arith.constant 32 : i32
      %dma_wait3A_104 = arith.constant 0 : i32
      %dma_wait3A_105 = arith.constant 0 : i32
      %dma_wait3A_106 = tpu.memref_slice %arg4[%select_n3A, %select_n3A_30, %dma_wait3A_103, %dma_wait3A_104, %dma_wait3A_105] : memref<8x4x64x8x128xf32, #tpu.memory_space<hbm>> -> memref<1x1x32x8x128xf32, #tpu.memory_space<hbm>>
      %dma_wait3A_107 = tpu.memref_squeeze %dma_wait3A_106 : memref<1x1x32x8x128xf32, #tpu.memory_space<hbm>> -> memref<32x8x128xf32, #tpu.memory_space<hbm>>
      %dma_wait3A_108 = arith.constant 32 : i32
      %dma_wait3A_109 = arith.constant 0 : i32
      %dma_wait3A_110 = arith.constant 0 : i32
      %dma_wait3A_111 = tpu.memref_slice %arg6[%dma_wait3A_108, %dma_wait3A_109, %dma_wait3A_110] : memref<64x8x128xf32, #tpu.memory_space<vmem>> -> memref<32x8x128xf32, #tpu.memory_space<vmem>>
      tpu.wait_dma2 semaphore(%run_scoped3A : memref<!tpu.dma_semaphore, #tpu.memory_space<semaphore_mem>>) src(%dma_wait3A_111 : memref<32x8x128xf32, #tpu.memory_space<vmem>>) dst(%dma_wait3A_107 : memref<32x8x128xf32, #tpu.memory_space<hbm>>)
      tpu.yield
    }) : () -> ()
    return
  }
}

</mosaic_0001>

<sc_bundles>
// kernel: kernel.3.cloned.1.call-start
scs
__scs_entry_jumppad:
0x0: {  	(pc) =	sbr.rel $0x88, $3  }
0x1: {  	(tag) =	ssettag $0x0;
	lr =	simm.s32 $0x1  }
0x2: {  	[smem:$0x3F9F] =	sst lr;
	_ =	strace $0xD0000000  }
0x3: {  	_ = 	snop  }
0x4: {  	_ = 	snop  }
0x5: {  	_ = 	snop  }
0x6: {  	_ = 	snop  }
0x7: {  	_ = 	snop  }
__scs_overlays_trampoline_lowered:
0x8: {  	[smem:$0x3FAE] =	sst s0  }
0x9: {  	[smem:$0x3FAF] =	sst s1  }
0xa: {  	[smem:$0x3FB0] =	sst s2  }
0xb: {  	[smem:$0x3FB1] =	sst s3  }
0xc: {  	[smem:$0x3FB2] =	sst s4  }
0xd: {  	[smem:$0x3FB3] =	sst s5  }
0xe: {  	[smem:$0x3FB4] =	sst s6  }
0xf: {  	[smem:$0x3FB5] =	sst s7  }
0x10: {  	[smem:$0x3FB6] =	sst s8  }
0x11: {  	[smem:$0x3FB7] =	sst s9;
	s0 =	simm.s32 @!p0 $0x0  }
0x12: {  	s1 =	sld [smem:$0x3F9D];
	s0 =	simm.s32 @p0 $0x1  }
0x13: {  	[smem:$0x3FB8] =	sst s0;
	s0 =	simm.s32 @!p1 $0x0  }
0x14: {  	s2 =	sld [smem:$0x3F9C];
	s0 =	simm.s32 @p1 $0x1  }
0x15: {  	[smem:$0x3FB9] =	sst s0;
	s0 =	simm.s32 @!p2 $0x0  }
0x16: {  	s3 =	sld [smem:$0x3FDB];
	s0 =	simm.s32 @p2 $0x1  }
0x17: {  	s4 =	simm.s32 $0x1BF5;
	[smem:$0x3FBB] =	sst s0  }
0x18: {  	s0 =	sld [smem:$0x3F9E];
	_ =	swait.ge [sflag:s4], $0x0  }
0x19: {  	s7 =	sld [smem:$0x3F9F]  }
0x1a: {  	s8 =	sadd.s32 $0xFFFFE003, lr  }
0x1b: {  	s9 =	sadd.s32 $0xFFFFFEF7, lr;
	s5 =	simm.s32 $0xFFFFFFFF;
	p2 =	slt.u32 s8, $0xFFFFF086  }
0x1c: {  	p1 =	slt.u32 s9, $0xF7A;
	s5 =	simm.s32 @!p2 $0x0  }
0x1d: {  	s5 =	simm.s32 @p1 $0x1;
	p0 =	seq.s32 s7, s2  }
0x1e: {  	s7 =	smul.u32 @!p0 $0xF7A, s2;
	p2 =	seq.s32 @!p0 s5, $0x0  }
0x1f: {  	s9 =	smul.u32 $0xF7A, s1;
	s8 =	simm.s32 @!p0 $0x1BF5;
	p2 =	por !p2, p0  }
0x20: {  	[sflag:s8] =	ssyncset.s32 @!p0 $0xFFFFF086;
	s6 =	sadd.s32 @!p0 s3, s7;
	s7 =	simm.s32 @!p0 $0x108  }
0x21: {  	s3 =	sadd.s32 s3, s9;
	s6 =	sadd.s32 @!p0 $0x88, s6;
	s7 =	simm.s32 @p2 $0x1082  }
0x22: {  	[simem:s7], [sflag:s8] =	dma.local @!p0 [hbm:s6], $0xF7A  }
0x23: {  	s9 =	sor.u32 $0xD0000000, s2;
	s6 =	simm.s32 $0x108;
	_ =	swait.ge @!p0 [sflag:s8], $0x0  }
0x24: {  	s3 =	sadd.s32 $0x88, s3;
	s6 =	simm.s32 @!p1 $0x1082;
	[sflag:s4] =	ssyncset.s32 $0xFFFFF086  }
0x25: {  	[simem:s6], [sflag:s4] =	dma.local [hbm:s3], $0xF7A  }
0x26: {  	[smem:$0x3F9F] =	sst s1;
	(tag) =	ssettag s2;
	_ =	strace s9  }
0x27: {  	s1 =	sld [smem:$0x3FAF]  }
0x28: {  	s2 =	sld [smem:$0x3FB0]  }
0x29: {  	s4 =	sld [smem:$0x3FB2]  }
0x2a: {  	p0 =	seq.s32 s5, $0x0;
	s5 =	sld [smem:$0x3FB3]  }
0x2b: {  	s6 =	sld [smem:$0x3FB4]  }
0x2c: {  	s7 =	sld [smem:$0x3FB5]  }
0x2d: {  	s3 =	simm.s32 $0x108;
	s8 =	sld [smem:$0x3FB6]  }
0x2e: {  	s3 =	simm.s32 @!p0 $0x1082;
	s9 =	sld [smem:$0x3FB7]  }
0x2f: {  	lr =	sadd.s32 s0, s3;
	s0 =	sld [smem:$0x3FAE]  }
0x30: {  	s3 =	sld [smem:$0x3FB1]  }
0x31: {  	[smem:$0x3FBA] =	sst s10  }
0x32: {  	s10 =	sld [smem:$0x3FB8];
	_ =	sdelay $0x3  }
0x33: {  	p0 =	seq.s32 s10, $0x1;
	s10 =	sld [smem:$0x3FBA];
	_ =	sdelay $0x3  }
0x34: {  	[smem:$0x3FBA] =	sst s10  }
0x35: {  	s10 =	sld [smem:$0x3FB9];
	_ =	sdelay $0x3  }
0x36: {  	p1 =	seq.s32 s10, $0x1;
	s10 =	sld [smem:$0x3FBA];
	_ =	sdelay $0x3  }
0x37: {  	[smem:$0x3FBA] =	sst s10  }
0x38: {  	s10 =	sld [smem:$0x3FBB]  }
0x39: {  	_ = 	snop;
	(pc) =	sbr.ind lr, $3  }
0x3a: {  	_ = 	snop  }
0x3b: {  	_ = 	snop  }
0x3c: {  	p2 =	seq.s32 s10, $0x1;
	s10 =	sld [smem:$0x3FBA]  }
0x3d: {  	_ =	shalt  }
0x3e: {  	_ =	shalt  }
0x3f: {  	_ =	shalt  }
0x40: {  	_ =	shalt  }
0x41: {  	_ =	shalt  }
0x42: {  	_ =	shalt  }
0x43: {  	_ =	shalt  }
0x44: {  	_ =	shalt  }
0x45: {  	_ =	shalt  }
0x46: {  	_ =	shalt  }
0x47: {  	_ =	shalt  }
0x48: {  	_ =	shalt  }
0x49: {  	_ =	shalt  }
0x4a: {  	_ =	shalt  }
0x4b: {  	_ =	shalt  }
0x4c: {  	_ =	shalt  }
0x4d: {  	_ =	shalt  }
0x4e: {  	_ =	shalt  }
0x4f: {  	_ =	shalt  }
0x50: {  	_ =	shalt  }
0x51: {  	_ =	shalt  }
0x52: {  	_ =	shalt  }
0x53: {  	_ =	shalt  }
0x54: {  	_ =	shalt  }
0x55: {  	_ =	shalt  }
0x56: {  	_ =	shalt  }
0x57: {  	_ =	shalt  }
0x58: {  	_ =	shalt  }
0x59: {  	_ =	shalt  }
0x5a: {  	_ =	shalt  }
0x5b: {  	_ =	shalt  }
0x5c: {  	_ =	shalt  }
0x5d: {  	_ =	shalt  }
0x5e: {  	_ =	shalt  }
0x5f: {  	_ =	shalt  }
0x60: {  	_ =	shalt  }
0x61: {  	_ =	shalt  }
0x62: {  	_ =	shalt  }
0x63: {  	_ =	shalt  }
0x64: {  	_ =	shalt  }
0x65: {  	_ =	shalt  }
0x66: {  	_ =	shalt  }
0x67: {  	_ =	shalt  }
0x68: {  	_ =	shalt  }
0x69: {  	_ =	shalt  }
0x6a: {  	_ =	shalt  }
0x6b: {  	_ =	shalt  }
0x6c: {  	_ =	shalt  }
0x6d: {  	_ =	shalt  }
0x6e: {  	_ =	shalt  }
0x6f: {  	_ =	shalt  }
0x70: {  	_ =	shalt  }
0x71: {  	_ =	shalt  }
0x72: {  	_ =	shalt  }
0x73: {  	_ =	shalt  }
0x74: {  	_ =	shalt  }
0x75: {  	_ =	shalt  }
0x76: {  	_ =	shalt  }
0x77: {  	_ =	shalt  }
0x78: {  	_ =	shalt  }
0x79: {  	_ =	shalt  }
0x7a: {  	_ =	shalt  }
0x7b: {  	_ =	shalt  }
0x7c: {  	_ =	shalt  }
0x7d: {  	_ =	shalt  }
0x7e: {  	_ =	shalt  }
0x7f: {  	_ =	shalt  }
0x80: {  	_ =	shalt  }
0x81: {  	_ =	shalt  }
0x82: {  	_ =	shalt  }
0x83: {  	_ =	shalt  }
0x84: {  	_ =	shalt  }
0x85: {  	_ =	shalt  }
0x86: {  	_ =	shalt  }
0x87: {  	_ =	shalt  }
.Lfunc_end0:
.L_simem_size_0:
called_computation_lowered:
.L_overlay_start_0:
0x88: {  	s2 =	sld [smem:$0x3FD9]  }
0x89: {  	s3 =	sld [smem:$0x3FFE];
	_ =	sdelay $0x1  }
0x8a: {  	s1 =	srdreg.scid  }
0x8b: {  	s0 =	sand.u32 $0x1, s1  }
0x8c: {  	s18 =	sshll.u32 s0, $0xA;
	s2 =	sadd.s32 s3, s2  }
0x8d: {  	s2 =	sadd.s32 s2, s18  }
0x8e: {  	[smem:$0x3FC6] =	sst s2  }
0x8f: {  	_ = 	snop  }
0x90: {  	s2 =	sld [smem:$0x3FC9]  }
0x91: {  	s19 =	sld [smem:$0x3FC8]  }
0x92: {  	s4 =	sld [smem:$0x3FD0];
	(tm) =	ssettm $0x1  }
0x93: {  	s5 =	sld [smem:$0x3FFB];
	_ =	sdelay $0x3  }
0x94: {  	_ =	strace s5  }
0x95: {  	s5 =	sld [smem:$0x3FFC];
	_ =	sdelay $0x3  }
0x96: {  	_ =	strace s5  }
0x97: {  	s5 =	sld [smem:$0x3FFD];
	_ =	sdelay $0x3  }
0x98: {  	_ =	strace s5  }
0x99: {  	_ =	strace $0x8FFFFFFF  }
0x9a: {  	s20 =	sld [smem:$0x3FDB];
	_ =	sdelay $0x1  }
0x9b: {  	s6 =	simm.s32 $_scs_section_size  }
0x9c: {  	s7 =	simm.s32 $_size__tile_overlayer_lowered;
	s8 =	simm.s32 $_tile_overlayer_lowered  }
0x9d: {  	s23 =	simm.s32 $0x1BFF;
	s22 =	sshll.u32 s8, $0x1;
	s5 =	sadd.s32 s6, s20  }
0x9e: {  	s9 =	simm.s32 $0x0;
	s21 =	sshll.u32 s7, $0x1;
	s7 =	sadd.s32 s22, s5  }
0x9f: {  	[timem:s9], [sflag:s23] =	dma.local [hbm:s7], s21  }
0xa0: {  	_ =	swait.ge [sflag:s23], s21  }
0xa1: {  	s6 =	ssub.s32 $0x0, s21;
	[sflag:s23] =	ssyncset.done $0x0  }
0xa2: {  	[sflag:s23] =	ssyncadd.s32 s6;
	_ =	sdelay $0x1  }
0xa3: {  	s24 =	simm.s32 $0x1B8B  }
0xa4: {  	_ =	swait.ge [sflag:s24], $0x1  }
0xa5: {  	[sflag:s24] =	ssyncset.done $0x0  }
0xa6: {  	s25 =	simm.s32 $0x1B8E;
	[sflag:s24] =	ssyncadd.s32 $0xFFFFFFFF  }
0xa7: {  	s26 =	simm.s32 $execute0_lowered;
	[smem:$0x3FD2] =	sst s25  }
0xa8: {  	s6 =	sshll.u32 s26, $0x1;
	_ =	strace $0x80000046;
	[dreg:$0x1] =	wrdreg $0xFFFFFFFF  }
0xa9: {  	s28 =	simm.s32 $_size_execute0_lowered;
	s5 =	sadd.s32 s5, s6;
	[dreg:$0x0] =	wrdreg $0x0  }
0xaa: {  	s6 =	sshll.u32 s28, $0x1;
	[dreg:$0x2] =	wrdreg s5  }
0xab: {  	[dreg:$0x3] =	wrdreg s6  }
0xac: {  	[dreg:$0x4] =	wrdreg $0xC0  }
0xad: {  	_ =	task [dreg:s9], $0x5FFFF  }
0xae: {  	[dreg:$0x1] =	wrdreg $0xFFFFFFFF  }
0xaf: {  	[dreg:$0x0] =	wrdreg $0x60  }
0xb0: {  	[dreg:$0x2] =	wrdreg s2  }
0xb1: {  	[dreg:$0x3] =	wrdreg s19  }
0xb2: {  	[dreg:$0x4] =	wrdreg s4  }
0xb3: {  	[dreg:$0x5] =	wrdreg $0x9  }
0xb4: {  	_ =	task.clear_ibuf [dreg:s9], $0x6FFFF;
	_ =	strace $0x90000046  }
0xb5: {  	s29 =	simm.s32 $0x9;
	_ =	strace $0x80000048  }
0xb6: {  	_ =	swait.ge [sflag:s29], $0x1  }
0xb7: {  	[sflag:s29] =	ssyncadd.s32 $0xFFFFFFFF  }
0xb8: {  	_ =	strace $0x90000048  }
0xb9: {  	_ =	sfence  }
0xba: {  	s30 =	sld [smem:$0x0];
	_ =	sdelay $0x2  }
0xbb: {  	s31 =	sshll.u32 s1, $0xD;
	s1 =	sshrl.u32 s1, $0x2  }
0xbc: {  	s3 =	sand.u32 $0x4000, s31;
	s1 =	sadd.s32 s1, s30  }
0xbd: {  	s0 =	sor.u32 s3, s0;
	s1 =	sshll.u32 s1, $0x11  }
0xbe: {  	s0 =	sor.u32 s1, s0  }
0xbf: {  	s0 =	sadd.s32 $0x8F2B, s0  }
0xc0: {  	[sflag:s0] =	ssyncadd.remote.s32 $0x1  }
0xc1: {  	_ =	sfence.sel $0xFFFF  }
0xc2: {  	[dreg:$0x0] =	wrdreg $0xFFFFFFFF;
	(pc) =	sbr.abs _section_cstart, $3  }
0xc3: {  	[dreg:$0x1] =	wrdreg $0xFFFFFFFF  }
0xc4: {  	_ =	task.clear_ibuf [dreg:s9], $0x2FFFF;
	_ =	strace $0x9FFFFFFF  }
0xc5: {  	(tm) =	ssettm $0x7FFFFFFF  }
tec
execute0_lowered:
.L_overlay_start_1:
0x0: {  	(tag) =	ssettag $0x1  }
0x1: {  	s4 =	rddreg [dreg:$0x0]  }
0x2: {  	s2 =	rddreg [dreg:$0x1]  }
0x3: {  	s5 =	rddreg [dreg:$0x2]  }
0x4: {  	s0 =	rddreg [dreg:$0x3];
	s1 =	stileid.u32  }
0x5: {  	s3 =	simm.s32 $0x0;
	s6 =	srdreg.scid;
	s16 =	simm.s32 $0x80  }
0x6: {  	s17 =	simm.s32 $0x1;
	s18 =	simm.s32 $0x2000;
	s19 =	simm.s32 $0x2  }
0x7: {  	s20 =	simm.s32 $0xA000;
	s21 =	simm.s32 $0x0;
	s7 =	sshll.u32 s1, $0x1  }
0x8: {  	[smem:$0x7FF] =	sst s3;
	s6 =	sand.u32 $0x1, s6;
	s8 =	sshrl.u32 s1, $0x1  }
0x9: {  	s7 =	sand.u32 $0x2, s7;
	_ =	strace $0x80000047;
	s9 =	sshll.u32 s8, $0xF  }
0xa: {  	s8 =	sshll.u32 s8, $0x14;
	s7 =	sor.u32 s6, s7;
	s6 =	ssub.s32 $0x2, s6  }
0xb: {  	s8 =	sadd.s32 s4, s8;
	s10 =	sshll.u32 s7, $0xD;
	s11 =	sshrl.u32 s6, $0x1  }
0xc: {  	s7 =	sshll.u32 s7, $0x12;
	s9 =	sor.u32 s9, s10;
	s31 =	ssub.s32 s6, s11  }
0xd: {  	s4 =	sadd.s32 s5, s9;
	s5 =	sadd.s32 s7, s8;
	s7 =	smax.u32 s31, $0x1  }
0xe: {  	s8 =	simm.s32 $0x3;
	s6 =	sadd.s32 $0x1000, s4;
	s9 =	sadd.s32 $0x10, s5  }
0xf: {  	s10 =	sadd.s32 $0x20, s5;
	s11 =	sadd.s32 $0x30, s5;
	s12 =	sadd.s32 $0x40, s5  }
0x10: {  	s13 =	sadd.s32 $0x50, s5;
	s14 =	sadd.s32 $0x60, s5;
	s15 =	sadd.s32 $0x70, s5  }
.LBB2_1:
0x11: {  	[tilespmem:s3], [sflag:$0x3] =	stream.linear.gather [hbm4b:s2+s3], $0x2000, $0x38;
	[tilespmem:$0x12000] =	vst v63  }
0x12: {  	_ =	swait.ge [sflag:s8], $0x2000  }
0x13: {  	[sflag:s8] =	ssyncset.done $0x0  }
0x14: {  	[sflag:s8] =	ssyncadd.s32 $0xFFFFE000  }
0x15: {  	v0 =	vld [tilespmem:s3+$0x20]  }
0x16: {  	v1 =	vld [tilespmem:s3+$0x40]  }
0x17: {  	v2 =	vld [tilespmem:s3+$0x60]  }
0x18: {  	v3 =	vld [tilespmem:s3+$0x70]  }
0x19: {  	v4 =	vld [tilespmem:s3+$0x0];
	_ =	sdelay $0x1  }
0x1a: {  	v5 =	vld [tilespmem:s3+$0x10];
	v6 =	vshll.u32 v0, $0x3  }
0x1b: {  	v8 =	vld [tilespmem:s3+$0x50];
	v0 =	vand.u32 $0x7F, v0;
	v7 =	vshll.u32 v1, $0x3;
	v1 =	vand.u32 $0x7F, v1  }
0x1c: {  	v48 =	vand.u32 $0x7F, v2;
	v2 =	vshll.u32 v2, $0x3;
	v9 =	vand.u32 $0x7F, v3  }
0x1d: {  	v10 =	vand.u32 $0x7F, v4;
	v50 =	vshll.u32 v3, $0x3;
	v47 =	vand.u32 $0xFFFFFC00, v7  }
0x1e: {  	v49 =	vld [tilespmem:s3+$0x30];
	v51 =	vshll.u32 v4, $0x3;
	v6 =	vand.u32 $0xFFFFFC00, v6;
	v1 =	vor.u32 v1, v47  }
0x1f: {  	v52 =	vand.u32 $0x7F, v5;
	v2 =	vand.u32 $0xFFFFFC00, v2;
	v0 =	vor.u32 v0, v6;
	[tilespmem:s3+$0x40] =	vst v1  }
0x20: {  	v55 =	vand.u32 $0x7F, v8;
	v54 =	vand.u32 $0xFFFFFC00, v51;
	v53 =	vor.u32 v48, v2;
	[tilespmem:s3+$0x20] =	vst v0  }
0x21: {  	v58 =	vshll.u32 v5, $0x3;
	v56 =	vand.u32 $0xFFFFFC00, v50;
	v57 =	vor.u32 v10, v54;
	[tilespmem:s3+$0x60] =	vst v53  }
0x22: {  	v60 =	vshll.u32 v8, $0x3;
	v59 =	vand.u32 $0xFFFFFC00, v58;
	v0 =	vor.u32 v9, v56;
	[tilespmem:s3+$0x0] =	vst v57  }
0x23: {  	v61 =	vshll.u32 v49, $0x3;
	v2 =	vand.u32 $0xFFFFFC00, v60;
	v1 =	vor.u32 v52, v59;
	[tilespmem:s3+$0x70] =	vst v0  }
0x24: {  	s23 =	simm.s32 $0x1000;
	v62 =	vand.u32 $0x7F, v49;
	v63 =	vand.u32 $0xFFFFFC00, v61;
	v2 =	vor.u32 v55, v2;
	[tilespmem:s3+$0x10] =	vst v1  }
0x25: {  	s22 =	simm.s32 $0x80;
	s25 =	simm.s32 $0x2000;
	s29 =	simm.s32 $0x0;
	v0 =	vor.u32 v62, v63;
	[tilespmem:s3+$0x50] =	vst v2  }
0x26: {  	s26 =	simm.s32 $0x100;
	s28 =	simm.s32 $0x2000;
	s24 =	simm.s32 $0x0;
	[tilespmem:s3+$0x30] =	vst v0  }
.LBB2_2:
0x27: {  	[tilespmem:s28], [sflag:$0x1] =	stream.indirect.gather [hbm4b:s5+s16], $0x1, s24, s16, $0xb8;
	[tilespmem:$0x12000] =	vst v63  }
0x28: {  	s28 =	smov.u32 s25  }
0x29: {  	p0 =	sne.s32 s25, $0x1F000;
	s25 =	sadd.s32 $0x1000, s25;
	s30 =	sadd.s32 $0x2080, s29  }
0x2a: {  	[tilespmem:s30], [sflag:$0x1] =	stream.indirect.gather [hbm4b:s9+s16], $0x1, s24, s16, $0xb8;
	[tilespmem:$0x12000] =	vst v63  }
0x2b: {  	s30 =	sadd.s32 $0x2100, s29  }
0x2c: {  	[tilespmem:s30], [sflag:$0x1] =	stream.indirect.gather [hbm4b:s10+s16], $0x1, s24, s16, $0xb8;
	[tilespmem:$0x12000] =	vst v63  }
0x2d: {  	s30 =	sadd.s32 $0x2180, s29  }
0x2e: {  	[tilespmem:s30], [sflag:$0x1] =	stream.indirect.gather [hbm4b:s11+s16], $0x1, s24, s16, $0xb8;
	[tilespmem:$0x12000] =	vst v63  }
0x2f: {  	s30 =	sadd.s32 $0x2200, s29  }
0x30: {  	[tilespmem:s30], [sflag:$0x1] =	stream.indirect.gather [hbm4b:s12+s16], $0x1, s24, s16, $0xb8;
	[tilespmem:$0x12000] =	vst v63  }
0x31: {  	s30 =	sadd.s32 $0x2280, s29  }
0x32: {  	[tilespmem:s30], [sflag:$0x1] =	stream.indirect.gather [hbm4b:s13+s16], $0x1, s24, s16, $0xb8;
	[tilespmem:$0x12000] =	vst v63  }
0x33: {  	s30 =	sadd.s32 $0x2300, s29  }
0x34: {  	[tilespmem:s30], [sflag:$0x1] =	stream.indirect.gather [hbm4b:s14+s16], $0x1, s24, s16, $0xb8;
	[tilespmem:$0x12000] =	vst v63  }
0x35: {  	s29 =	sadd.s32 $0x2380, s29  }
0x36: {  	[tilespmem:s29], [sflag:$0x1] =	stream.indirect.gather [hbm4b:s15+s16], $0x1, s24, s16, $0xb8;
	[tilespmem:$0x12000] =	vst v63  }
0x37: {  	s24 =	smov.u32 s22;
	v0 =	vld [tilespmem:s22+$0x20];
	s22 =	smov.u32 s26  }
0x38: {  	v1 =	vld [tilespmem:s24+$0x40]  }
0x39: {  	v2 =	vld [tilespmem:s24+$0x60]  }
0x3a: {  	v3 =	vld [tilespmem:s24+$0x70]  }
0x3b: {  	v4 =	vld [tilespmem:s24+$0x0]  }
0x3c: {  	v5 =	vld [tilespmem:s24+$0x10];
	v6 =	vshll.u32 v0, $0x3;
	v0 =	vand.u32 $0x7F, v0  }
0x3d: {  	v6 =	vand.u32 $0xFFFFFC00, v6;
	v7 =	vshll.u32 v1, $0x3;
	v1 =	vand.u32 $0x7F, v1;
	v8 =	vld [tilespmem:s24+$0x50]  }
0x3e: {  	v0 =	vor.u32 v0, v6;
	v6 =	vld [tilespmem:s24+$0x30];
	v7 =	vand.u32 $0xFFFFFC00, v7;
	v9 =	vand.u32 $0x7F, v2  }
0x3f: {  	v2 =	vshll.u32 v2, $0x3;
	v1 =	vor.u32 v1, v7;
	v7 =	vand.u32 $0x7F, v3  }
0x40: {  	v10 =	vand.u32 $0x7F, v4;
	[tilespmem:s24+$0x40] =	vst v1;
	v1 =	vand.u32 $0xFFFFFC00, v2;
	v2 =	vshll.u32 v3, $0x3  }
0x41: {  	v3 =	vshll.u32 v4, $0x3;
	v4 =	vand.u32 $0x7F, v5;
	[tilespmem:s24+$0x20] =	vst v0;
	v0 =	vor.u32 v9, v1  }
0x42: {  	v1 =	vand.u32 $0xFFFFFC00, v3;
	v3 =	vand.u32 $0x7F, v8;
	[tilespmem:s24+$0x60] =	vst v0;
	v0 =	vand.u32 $0xFFFFFC00, v2  }
0x43: {  	v1 =	vor.u32 v10, v1;
	v2 =	vshll.u32 v5, $0x3;
	v0 =	vor.u32 v7, v0  }
.Ltmp0:
0x44: {  	v5 =	vshll.u32 v8, $0x3;
	[tilespmem:s24+$0x0] =	vst v1;
	v1 =	vand.u32 $0xFFFFFC00, v2;
	v2 =	vand.u32 $0x7F, v6;
	(pc) =	sbr.rel @p0 .LBB2_2-.Ltmp0, $4  }
0x45: {  	v5 =	vand.u32 $0xFFFFFC00, v5;
	v1 =	vor.u32 v4, v1;
	v4 =	vshll.u32 v6, $0x3;
	[tilespmem:s24+$0x70] =	vst v0  }
0x46: {  	[tilespmem:s24+$0x10] =	vst v1;
	v0 =	vand.u32 $0xFFFFFC00, v4;
	v1 =	vor.u32 v3, v5  }
0x47: {  	s29 =	sshra.s32 s23, $0x2;
	s23 =	smov.u32 s28;
	v0 =	vor.u32 v2, v0;
	[tilespmem:s24+$0x50] =	vst v1  }
0x48: {  	s26 =	sadd.s32 $0x80, s26;
	s28 =	sadd.s32 $0x2000, s29;
	[tilespmem:s24+$0x30] =	vst v0  }
0x49: {  	[tilespmem:s28], [sflag:$0x1] =	stream.indirect.gather [hbm4b:s5+s16], $0x1, s24, s16, $0xb8;
	[tilespmem:$0x12000] =	vst v63  }
0x4a: {  	s25 =	sadd.s32 $0x2080, s29  }
0x4b: {  	[tilespmem:s25], [sflag:$0x1] =	stream.indirect.gather [hbm4b:s9+s16], $0x1, s24, s16, $0xb8;
	[tilespmem:$0x12000] =	vst v63  }
0x4c: {  	s26 =	sadd.s32 $0x2100, s29  }
0x4d: {  	[tilespmem:s26], [sflag:$0x1] =	stream.indirect.gather [hbm4b:s10+s16], $0x1, s24, s16, $0xb8;
	[tilespmem:$0x12000] =	vst v63  }
0x4e: {  	s30 =	sadd.s32 $0x2180, s29  }
0x4f: {  	[tilespmem:s30], [sflag:$0x1] =	stream.indirect.gather [hbm4b:s11+s16], $0x1, s24, s16, $0xb8;
	[tilespmem:$0x12000] =	vst v63  }
0x50: {  	s31 =	sadd.s32 $0x2200, s29  }
0x51: {  	[tilespmem:s31], [sflag:$0x1] =	stream.indirect.gather [hbm4b:s12+s16], $0x1, s24, s16, $0xb8;
	[tilespmem:$0x12000] =	vst v63  }
0x52: {  	s26 =	sadd.s32 $0x2280, s29  }
0x53: {  	[tilespmem:s26], [sflag:$0x1] =	stream.indirect.gather [hbm4b:s13+s16], $0x1, s24, s16, $0xb8;
	[tilespmem:$0x12000] =	vst v63  }
0x54: {  	s30 =	sadd.s32 $0x2300, s29  }
0x55: {  	[tilespmem:s30], [sflag:$0x1] =	stream.indirect.gather [hbm4b:s14+s16], $0x1, s24, s16, $0xb8;
	[tilespmem:$0x12000] =	vst v63  }
0x56: {  	s31 =	sadd.s32 $0x2380, s29  }
0x57: {  	[tilespmem:s31], [sflag:$0x1] =	stream.indirect.gather [hbm4b:s15+s16], $0x1, s24, s16, $0xb8;
	[tilespmem:$0x12000] =	vst v63  }
0x58: {  	v0 =	vld [tilespmem:s22+$0x20]  }
0x59: {  	v1 =	vld [tilespmem:s22+$0x40]  }
0x5a: {  	v2 =	vld [tilespmem:s22+$0x60]  }
0x5b: {  	v3 =	vld [tilespmem:s22+$0x70]  }
0x5c: {  	v4 =	vld [tilespmem:s22+$0x0];
	_ =	sdelay $0x1  }
0x5d: {  	v5 =	vld [tilespmem:s22+$0x10];
	v6 =	vshll.u32 v0, $0x3  }
0x5e: {  	v8 =	vld [tilespmem:s22+$0x50];
	v0 =	vand.u32 $0x7F, v0;
	v7 =	vshll.u32 v1, $0x3;
	v1 =	vand.u32 $0x7F, v1  }
0x5f: {  	v22 =	vand.u32 $0x7F, v2;
	v2 =	vshll.u32 v2, $0x3;
	v9 =	vand.u32 $0x7F, v3  }
0x60: {  	v10 =	vand.u32 $0x7F, v4;
	v24 =	vshll.u32 v3, $0x3;
	v21 =	vand.u32 $0xFFFFFC00, v7  }
0x61: {  	v23 =	vld [tilespmem:s22+$0x30];
	v25 =	vshll.u32 v4, $0x3;
	v6 =	vand.u32 $0xFFFFFC00, v6;
	v1 =	vor.u32 v1, v21  }
0x62: {  	v26 =	vand.u32 $0x7F, v5;
	v2 =	vand.u32 $0xFFFFFC00, v2;
	v0 =	vor.u32 v0, v6;
	[tilespmem:s22+$0x40] =	vst v1  }
0x63: {  	v29 =	vand.u32 $0x7F, v8;
	v28 =	vand.u32 $0xFFFFFC00, v25;
	v27 =	vor.u32 v22, v2;
	[tilespmem:s22+$0x20] =	vst v0  }
0x64: {  	v32 =	vshll.u32 v5, $0x3;
	v30 =	vand.u32 $0xFFFFFC00, v24;
	v31 =	vor.u32 v10, v28;
	[tilespmem:s22+$0x60] =	vst v27  }
0x65: {  	v34 =	vshll.u32 v8, $0x3;
	v33 =	vand.u32 $0xFFFFFC00, v32;
	v0 =	vor.u32 v9, v30;
	[tilespmem:s22+$0x0] =	vst v31  }
0x66: {  	v35 =	vshll.u32 v23, $0x3;
	v2 =	vand.u32 $0xFFFFFC00, v34;
	v1 =	vor.u32 v26, v33;
	[tilespmem:s22+$0x70] =	vst v0  }
0x67: {  	v36 =	vand.u32 $0x7F, v23;
	v37 =	vand.u32 $0xFFFFFC00, v35;
	v2 =	vor.u32 v29, v2;
	[tilespmem:s22+$0x10] =	vst v1  }
0x68: {  	s23 =	sshra.s32 s23, $0x2;
	v0 =	vor.u32 v36, v37;
	[tilespmem:s22+$0x50] =	vst v2  }
0x69: {  	s26 =	sadd.s32 $0x2000, s23;
	[tilespmem:s22+$0x30] =	vst v0  }
0x6a: {  	[tilespmem:s26], [sflag:$0x1] =	stream.indirect.gather [hbm4b:s5+s16], $0x1, s22, s16, $0xb8;
	[tilespmem:$0x12000] =	vst v63  }
0x6b: {  	s30 =	sadd.s32 $0x2080, s23  }
0x6c: {  	[tilespmem:s30], [sflag:$0x1] =	stream.indirect.gather [hbm4b:s9+s16], $0x1, s22, s16, $0xb8;
	[tilespmem:$0x12000] =	vst v63  }
0x6d: {  	s31 =	sadd.s32 $0x2100, s23  }
0x6e: {  	[tilespmem:s31], [sflag:$0x1] =	stream.indirect.gather [hbm4b:s10+s16], $0x1, s22, s16, $0xb8;
	[tilespmem:$0x12000] =	vst v63  }
0x6f: {  	s25 =	sadd.s32 $0x2180, s23  }
0x70: {  	[tilespmem:s25], [sflag:$0x1] =	stream.indirect.gather [hbm4b:s11+s16], $0x1, s22, s16, $0xb8;
	[tilespmem:$0x12000] =	vst v63  }
0x71: {  	s26 =	sadd.s32 $0x2200, s23  }
0x72: {  	[tilespmem:s26], [sflag:$0x1] =	stream.indirect.gather [hbm4b:s12+s16], $0x1, s22, s16, $0xb8;
	[tilespmem:$0x12000] =	vst v63  }
0x73: {  	s30 =	sadd.s32 $0x2280, s23  }
0x74: {  	[tilespmem:s30], [sflag:$0x1] =	stream.indirect.gather [hbm4b:s13+s16], $0x1, s22, s16, $0xb8;
	[tilespmem:$0x12000] =	vst v63  }
0x75: {  	s31 =	sadd.s32 $0x2300, s23  }
0x76: {  	[tilespmem:s31], [sflag:$0x1] =	stream.indirect.gather [hbm4b:s14+s16], $0x1, s22, s16, $0xb8;
	[tilespmem:$0x12000] =	vst v63  }
0x77: {  	s24 =	simm.s32 $0x1000;
	s23 =	sadd.s32 $0x2380, s23  }
0x78: {  	[tilespmem:s23], [sflag:$0x1] =	stream.indirect.gather [hbm4b:s15+s16], $0x1, s22, s16, $0xb8;
	[tilespmem:$0x12000] =	vst v63  }
0x79: {  	v0 =	vld [tilespmem:s24+$0x20]  }
0x7a: {  	v38 =	vld [tilespmem:s24+$0x40]  }
0x7b: {  	v2 =	vld [tilespmem:s24+$0x60]  }
0x7c: {  	v39 =	vld [tilespmem:s24+$0x70]  }
0x7d: {  	v40 =	vld [tilespmem:s24+$0x0];
	_ =	sdelay $0x1  }
0x7e: {  	v41 =	vld [tilespmem:s24+$0x10];
	v42 =	vshll.u32 v0, $0x3  }
0x7f: {  	v44 =	vld [tilespmem:s24+$0x50];
	v0 =	vand.u32 $0x7F, v0;
	v43 =	vshll.u32 v38, $0x3;
	v1 =	vand.u32 $0x7F, v38  }
0x80: {  	v46 =	vand.u32 $0x7F, v2;
	v2 =	vshll.u32 v2, $0x3;
	v48 =	vand.u32 $0x7F, v39  }
0x81: {  	v49 =	vand.u32 $0x7F, v40;
	v50 =	vshll.u32 v39, $0x3;
	v45 =	vand.u32 $0xFFFFFC00, v43  }
0x82: {  	v47 =	vld [tilespmem:s24+$0x30];
	v51 =	vshll.u32 v40, $0x3;
	v6 =	vand.u32 $0xFFFFFC00, v42;
	v1 =	vor.u32 v1, v45  }
0x83: {  	v52 =	vand.u32 $0x7F, v41;
	v2 =	vand.u32 $0xFFFFFC00, v2;
	v0 =	vor.u32 v0, v6;
	[tilespmem:s24+$0x40] =	vst v1  }
0x84: {  	v55 =	vand.u32 $0x7F, v44;
	v54 =	vand.u32 $0xFFFFFC00, v51;
	v53 =	vor.u32 v46, v2;
	[tilespmem:s24+$0x20] =	vst v0  }
0x85: {  	v58 =	vshll.u32 v41, $0x3;
	v56 =	vand.u32 $0xFFFFFC00, v50;
	v57 =	vor.u32 v49, v54;
	[tilespmem:s24+$0x60] =	vst v53  }
0x86: {  	v60 =	vshll.u32 v44, $0x3;
	v59 =	vand.u32 $0xFFFFFC00, v58;
	v0 =	vor.u32 v48, v56;
	[tilespmem:s24+$0x0] =	vst v57  }
0x87: {  	v61 =	vshll.u32 v47, $0x3;
	v2 =	vand.u32 $0xFFFFFC00, v60;
	v1 =	vor.u32 v52, v59;
	[tilespmem:s24+$0x70] =	vst v0  }
0x88: {  	v62 =	vand.u32 $0x7F, v47;
	v63 =	vand.u32 $0xFFFFFC00, v61;
	v2 =	vor.u32 v55, v2;
	[tilespmem:s24+$0x10] =	vst v1  }
0x89: {  	s28 =	simm.s32 $0xA000;
	s29 =	simm.s32 $0x0;
	s25 =	simm.s32 $0x2000;
	v0 =	vor.u32 v62, v63;
	[tilespmem:s24+$0x50] =	vst v2  }
0x8a: {  	s26 =	simm.s32 $0x1100;
	s23 =	simm.s32 $0x1000;
	s22 =	simm.s32 $0x1080;
	[tilespmem:s24+$0x30] =	vst v0  }
.LBB2_4:
0x8b: {  	[tilespmem:s28], [sflag:$0x2] =	stream.indirect.gather [hbm4b:s5+s16], $0x1, s24, s16, $0xb8;
	[tilespmem:$0x12000] =	vst v63  }
0x8c: {  	s28 =	smov.u32 s25  }
0x8d: {  	p0 =	sne.s32 s25, $0x1F000;
	s25 =	sadd.s32 $0x1000, s25;
	s30 =	sadd.s32 $0xA080, s29  }
0x8e: {  	[tilespmem:s30], [sflag:$0x2] =	stream.indirect.gather [hbm4b:s9+s16], $0x1, s24, s16, $0xb8;
	[tilespmem:$0x12000] =	vst v63  }
0x8f: {  	s30 =	sadd.s32 $0xA100, s29  }
0x90: {  	[tilespmem:s30], [sflag:$0x2] =	stream.indirect.gather [hbm4b:s10+s16], $0x1, s24, s16, $0xb8;
	[tilespmem:$0x12000] =	vst v63  }
0x91: {  	s30 =	sadd.s32 $0xA180, s29  }
0x92: {  	[tilespmem:s30], [sflag:$0x2] =	stream.indirect.gather [hbm4b:s11+s16], $0x1, s24, s16, $0xb8;
	[tilespmem:$0x12000] =	vst v63  }
0x93: {  	s30 =	sadd.s32 $0xA200, s29  }
0x94: {  	[tilespmem:s30], [sflag:$0x2] =	stream.indirect.gather [hbm4b:s12+s16], $0x1, s24, s16, $0xb8;
	[tilespmem:$0x12000] =	vst v63  }
0x95: {  	s30 =	sadd.s32 $0xA280, s29  }
0x96: {  	[tilespmem:s30], [sflag:$0x2] =	stream.indirect.gather [hbm4b:s13+s16], $0x1, s24, s16, $0xb8;
	[tilespmem:$0x12000] =	vst v63  }
0x97: {  	s30 =	sadd.s32 $0xA300, s29  }
0x98: {  	[tilespmem:s30], [sflag:$0x2] =	stream.indirect.gather [hbm4b:s14+s16], $0x1, s24, s16, $0xb8;
	[tilespmem:$0x12000] =	vst v63  }
0x99: {  	s29 =	sadd.s32 $0xA380, s29  }
0x9a: {  	[tilespmem:s29], [sflag:$0x2] =	stream.indirect.gather [hbm4b:s15+s16], $0x1, s24, s16, $0xb8;
	[tilespmem:$0x12000] =	vst v63  }
0x9b: {  	s24 =	smov.u32 s22;
	v0 =	vld [tilespmem:s22+$0x20];
	s22 =	smov.u32 s26  }
0x9c: {  	v1 =	vld [tilespmem:s24+$0x40]  }
0x9d: {  	v2 =	vld [tilespmem:s24+$0x60]  }
0x9e: {  	v3 =	vld [tilespmem:s24+$0x70]  }
0x9f: {  	v4 =	vld [tilespmem:s24+$0x0]  }
0xa0: {  	v5 =	vld [tilespmem:s24+$0x10];
	v6 =	vshll.u32 v0, $0x3;
	v0 =	vand.u32 $0x7F, v0  }
0xa1: {  	v6 =	vand.u32 $0xFFFFFC00, v6;
	v7 =	vshll.u32 v1, $0x3;
	v1 =	vand.u32 $0x7F, v1;
	v8 =	vld [tilespmem:s24+$0x50]  }
0xa2: {  	v0 =	vor.u32 v0, v6;
	v6 =	vld [tilespmem:s24+$0x30];
	v7 =	vand.u32 $0xFFFFFC00, v7;
	v9 =	vand.u32 $0x7F, v2  }
0xa3: {  	v2 =	vshll.u32 v2, $0x3;
	v1 =	vor.u32 v1, v7;
	v7 =	vand.u32 $0x7F, v3  }
0xa4: {  	v10 =	vand.u32 $0x7F, v4;
	[tilespmem:s24+$0x40] =	vst v1;
	v1 =	vand.u32 $0xFFFFFC00, v2;
	v2 =	vshll.u32 v3, $0x3  }
0xa5: {  	v3 =	vshll.u32 v4, $0x3;
	v4 =	vand.u32 $0x7F, v5;
	[tilespmem:s24+$0x20] =	vst v0;
	v0 =	vor.u32 v9, v1  }
0xa6: {  	v1 =	vand.u32 $0xFFFFFC00, v3;
	v3 =	vand.u32 $0x7F, v8;
	[tilespmem:s24+$0x60] =	vst v0;
	v0 =	vand.u32 $0xFFFFFC00, v2  }
0xa7: {  	v1 =	vor.u32 v10, v1;
	v2 =	vshll.u32 v5, $0x3;
	v0 =	vor.u32 v7, v0  }
.Ltmp1:
0xa8: {  	v5 =	vshll.u32 v8, $0x3;
	[tilespmem:s24+$0x0] =	vst v1;
	v1 =	vand.u32 $0xFFFFFC00, v2;
	v2 =	vand.u32 $0x7F, v6;
	(pc) =	sbr.rel @p0 .LBB2_4-.Ltmp1, $4  }
0xa9: {  	v5 =	vand.u32 $0xFFFFFC00, v5;
	v1 =	vor.u32 v4, v1;
	v4 =	vshll.u32 v6, $0x3;
	[tilespmem:s24+$0x70] =	vst v0  }
0xaa: {  	[tilespmem:s24+$0x10] =	vst v1;
	v0 =	vand.u32 $0xFFFFFC00, v4;
	v1 =	vor.u32 v3, v5  }
0xab: {  	s29 =	sshra.s32 s23, $0x2;
	s23 =	smov.u32 s28;
	v0 =	vor.u32 v2, v0;
	[tilespmem:s24+$0x50] =	vst v1  }
0xac: {  	s26 =	sadd.s32 $0x80, s26;
	s28 =	sadd.s32 $0xA000, s29;
	[tilespmem:s24+$0x30] =	vst v0  }
0xad: {  	[tilespmem:s28], [sflag:$0x2] =	stream.indirect.gather [hbm4b:s5+s16], $0x1, s24, s16, $0xb8;
	[tilespmem:$0x12000] =	vst v63  }
0xae: {  	s25 =	sadd.s32 $0xA080, s29  }
0xaf: {  	[tilespmem:s25], [sflag:$0x2] =	stream.indirect.gather [hbm4b:s9+s16], $0x1, s24, s16, $0xb8;
	[tilespmem:$0x12000] =	vst v63  }
0xb0: {  	s28 =	sadd.s32 $0xA100, s29  }
0xb1: {  	[tilespmem:s28], [sflag:$0x2] =	stream.indirect.gather [hbm4b:s10+s16], $0x1, s24, s16, $0xb8;
	[tilespmem:$0x12000] =	vst v63  }
0xb2: {  	s30 =	sadd.s32 $0xA180, s29  }
0xb3: {  	[tilespmem:s30], [sflag:$0x2] =	stream.indirect.gather [hbm4b:s11+s16], $0x1, s24, s16, $0xb8;
	[tilespmem:$0x12000] =	vst v63  }
0xb4: {  	s31 =	sadd.s32 $0xA200, s29  }
0xb5: {  	[tilespmem:s31], [sflag:$0x2] =	stream.indirect.gather [hbm4b:s12+s16], $0x1, s24, s16, $0xb8;
	[tilespmem:$0x12000] =	vst v63  }
0xb6: {  	s26 =	sadd.s32 $0xA280, s29  }
0xb7: {  	[tilespmem:s26], [sflag:$0x2] =	stream.indirect.gather [hbm4b:s13+s16], $0x1, s24, s16, $0xb8;
	[tilespmem:$0x12000] =	vst v63  }
0xb8: {  	s28 =	sadd.s32 $0xA300, s29  }
0xb9: {  	[tilespmem:s28], [sflag:$0x2] =	stream.indirect.gather [hbm4b:s14+s16], $0x1, s24, s16, $0xb8;
	[tilespmem:$0x12000] =	vst v63  }
0xba: {  	s30 =	sadd.s32 $0xA380, s29  }
0xbb: {  	[tilespmem:s30], [sflag:$0x2] =	stream.indirect.gather [hbm4b:s15+s16], $0x1, s24, s16, $0xb8;
	[tilespmem:$0x12000] =	vst v63  }
0xbc: {  	v0 =	vld [tilespmem:s22+$0x20]  }
0xbd: {  	v1 =	vld [tilespmem:s22+$0x40]  }
0xbe: {  	v2 =	vld [tilespmem:s22+$0x60]  }
0xbf: {  	v3 =	vld [tilespmem:s22+$0x70]  }
0xc0: {  	v4 =	vld [tilespmem:s22+$0x0];
	_ =	sdelay $0x1  }
0xc1: {  	v5 =	vld [tilespmem:s22+$0x10];
	v6 =	vshll.u32 v0, $0x3  }
0xc2: {  	v8 =	vld [tilespmem:s22+$0x50];
	v0 =	vand.u32 $0x7F, v0;
	v7 =	vshll.u32 v1, $0x3;
	v1 =	vand.u32 $0x7F, v1  }
0xc3: {  	v48 =	vand.u32 $0x7F, v2;
	v2 =	vshll.u32 v2, $0x3;
	v9 =	vand.u32 $0x7F, v3  }
0xc4: {  	v10 =	vand.u32 $0x7F, v4;
	v50 =	vshll.u32 v3, $0x3;
	v47 =	vand.u32 $0xFFFFFC00, v7  }
0xc5: {  	v49 =	vld [tilespmem:s22+$0x30];
	v51 =	vshll.u32 v4, $0x3;
	v6 =	vand.u32 $0xFFFFFC00, v6;
	v1 =	vor.u32 v1, v47  }
0xc6: {  	v52 =	vand.u32 $0x7F, v5;
	v2 =	vand.u32 $0xFFFFFC00, v2;
	v0 =	vor.u32 v0, v6;
	[tilespmem:s22+$0x40] =	vst v1  }
0xc7: {  	v55 =	vand.u32 $0x7F, v8;
	v54 =	vand.u32 $0xFFFFFC00, v51;
	v53 =	vor.u32 v48, v2;
	[tilespmem:s22+$0x20] =	vst v0  }
0xc8: {  	v58 =	vshll.u32 v5, $0x3;
	v56 =	vand.u32 $0xFFFFFC00, v50;
	v57 =	vor.u32 v10, v54;
	[tilespmem:s22+$0x60] =	vst v53  }
0xc9: {  	v60 =	vshll.u32 v8, $0x3;
	v59 =	vand.u32 $0xFFFFFC00, v58;
	v0 =	vor.u32 v9, v56;
	[tilespmem:s22+$0x0] =	vst v57  }
0xca: {  	v61 =	vshll.u32 v49, $0x3;
	v2 =	vand.u32 $0xFFFFFC00, v60;
	v1 =	vor.u32 v52, v59;
	[tilespmem:s22+$0x70] =	vst v0  }
0xcb: {  	v62 =	vand.u32 $0x7F, v49;
	v63 =	vand.u32 $0xFFFFFC00, v61;
	v2 =	vor.u32 v55, v2;
	[tilespmem:s22+$0x10] =	vst v1  }
0xcc: {  	s23 =	sshra.s32 s23, $0x2;
	v0 =	vor.u32 v62, v63;
	[tilespmem:s22+$0x50] =	vst v2  }
0xcd: {  	s31 =	sadd.s32 $0xA000, s23;
	[tilespmem:s22+$0x30] =	vst v0  }
0xce: {  	[tilespmem:s31], [sflag:$0x2] =	stream.indirect.gather [hbm4b:s5+s16], $0x1, s22, s16, $0xb8;
	[tilespmem:$0x12000] =	vst v63  }
0xcf: {  	s25 =	sadd.s32 $0xA080, s23  }
0xd0: {  	[tilespmem:s25], [sflag:$0x2] =	stream.indirect.gather [hbm4b:s9+s16], $0x1, s22, s16, $0xb8;
	[tilespmem:$0x12000] =	vst v63  }
0xd1: {  	s26 =	sadd.s32 $0xA100, s23  }
0xd2: {  	[tilespmem:s26], [sflag:$0x2] =	stream.indirect.gather [hbm4b:s10+s16], $0x1, s22, s16, $0xb8;
	[tilespmem:$0x12000] =	vst v63  }
0xd3: {  	s28 =	sadd.s32 $0xA180, s23  }
0xd4: {  	[tilespmem:s28], [sflag:$0x2] =	stream.indirect.gather [hbm4b:s11+s16], $0x1, s22, s16, $0xb8;
	[tilespmem:$0x12000] =	vst v63  }
0xd5: {  	s29 =	sadd.s32 $0xA200, s23  }
0xd6: {  	[tilespmem:s29], [sflag:$0x2] =	stream.indirect.gather [hbm4b:s12+s16], $0x1, s22, s16, $0xb8;
	[tilespmem:$0x12000] =	vst v63  }
0xd7: {  	s30 =	sadd.s32 $0xA280, s23  }
0xd8: {  	[tilespmem:s30], [sflag:$0x2] =	stream.indirect.gather [hbm4b:s13+s16], $0x1, s22, s16, $0xb8;
	[tilespmem:$0x12000] =	vst v63  }
0xd9: {  	s31 =	sadd.s32 $0xA300, s23  }
0xda: {  	[tilespmem:s31], [sflag:$0x2] =	stream.indirect.gather [hbm4b:s14+s16], $0x1, s22, s16, $0xb8;
	[tilespmem:$0x12000] =	vst v63  }
0xdb: {  	s23 =	sadd.s32 $0xA380, s23  }
0xdc: {  	[tilespmem:s23], [sflag:$0x2] =	stream.indirect.gather [hbm4b:s15+s16], $0x1, s22, s16, $0xb8;
	[tilespmem:$0x12000] =	vst v63  }
0xdd: {  	_ =	swait.ge [sflag:s17], $0x8000  }
0xde: {  	[sflag:s17] =	ssyncset.done $0x0  }
0xdf: {  	[sflag:s17] =	ssyncadd.s32 $0xFFFF8000  }
0xe0: {  	[hbm4b:s4+s3] =	stream.linear.scatter [tilespmem:s18], [sflag:$0x3], $0x8000, $0x38;
	[tilespmem:$0x12000] =	vst v63  }
0xe1: {  	_ =	swait.ge [sflag:s8], $0x8000  }
0xe2: {  	[sflag:s8] =	ssyncset.done $0x0  }
0xe3: {  	[sflag:s8] =	ssyncadd.s32 $0xFFFF8000  }
0xe4: {  	s21 =	sadd.s32 $0x1, s21;
	_ =	swait.ge [sflag:s19], $0x8000  }
0xe5: {  	p0 =	sne.s32 s21, s7;
	[sflag:s19] =	ssyncset.done $0x0  }
.Ltmp2:
0xe6: {  	[sflag:s19] =	ssyncadd.s32 $0xFFFF8000;
	(pc) =	sbr.rel @p0 .LBB2_1-.Ltmp2, $4  }
0xe7: {  	[hbm4b:s6+s3] =	stream.linear.scatter [tilespmem:s20], [sflag:$0x3], $0x8000, $0x38;
	[tilespmem:$0x12000] =	vst v63  }
0xe8: {  	_ =	swait.ge [sflag:s8], $0x8000  }
0xe9: {  	[sflag:s8] =	ssyncset.done $0x0  }
0xea: {  	[sflag:s8] =	ssyncadd.s32 $0xFFFF8000  }
0xeb: {  	_ =	sfence.sel $0x180000  }
0xec: {  	[bflag:$0x0] =	sbarrier.arrive $0xFFFF  }
0xed: {  	p0 =	sne.s32 s1, $0x0;
	_ =	strace $0x90000047  }
0xee: {  	s0 =	sadd.s32 @!p0 $0x100000, s0;
	[bflag:$0x2] =	sbarrier.arrive $0xFFFF  }
0xef: {  	[sflag:s0] =	ssyncadd.tile.s32 @!p0 $0x1;
	_ =	shalt  }
.Lfunc_end2:
_tile_overlayer_lowered:
.L_overlay_start_2:
0xf0: {  	(tag) =	ssettag $0x2  }
0xf1: {  	s0 =	rddreg [dreg:$0x0];
	s2 =	stileid.u32  }
0xf2: {  	s1 =	rddreg [dreg:$0x1];
	p0 =	sne.s32 s2, $0x0  }
0xf3: {  	s3 =	rddreg [dreg:$0x2];
	[bflag:$0x3] =	sbarrier.arrive $0xFFFF;
	s2 =	simm.s32 @!p0 $0x1C03  }
0xf4: {  	[timem:s3], [sflag:s2] =	dma.local @!p0 [hbm:s0], s1  }
0xf5: {  	s0 =	simm.s32 @!p0 $0x3  }
0xf6: {  	_ =	swait.ge @!p0 [sflag:s0], s1  }
0xf7: {  	s1 =	ssub.s32 @!p0 $0x0, s1;
	[sflag:s0] =	ssyncset.done @!p0 $0x0  }
0xf8: {  	[sflag:s0] =	ssyncadd.s32 @!p0 s1  }
0xf9: {  	[bflag:$0x3] =	sbarrier.arrive $0xFFFF  }
0xfa: {  	_ =	shalt  }

</sc_bundles>
